<compile_context>
chip_gen: v7x
topology: tpu7x:2x2x1
jax: 0.10.2.dev20260603
libtpu: 0.0.44.dev20260713+nightly
codegen_flags: <defaults>
</compile_context>

<pallas_src>
import functools

import jax
import jax.numpy as jnp
from jax import lax
from jax.experimental import pallas as pl
from jax.experimental.pallas import tpu as pltpu
from jax.experimental.pallas import tpu_sc as plsc

N_NODES = 10000
N_EDGES = 320000
D = 128
L = 16
NC = 2
NS = 16
NW = NC * NS
EPW = N_EDGES // NW
C = 80
NCHUNK = EPW // C
GRP = C // L


def _dist_mult_body(src_hbm, dst_hbm, node_hbm, edge_hbm, out_hbm,
                    idx_s, idx_d, scores_all,
                    head0, tail0, rel0, head1, tail1, rel1,
                    sh0, st0, sr0, sh1, st1, sr1):
    wid = lax.axis_index("c") * NS + lax.axis_index("s")
    base = wid * EPW

    pltpu.sync_copy(src_hbm.at[pl.ds(base, EPW)], idx_s)
    pltpu.sync_copy(dst_hbm.at[pl.ds(base, EPW)], idx_d)

    bufs = ((head0, tail0, rel0, sh0, st0, sr0),
            (head1, tail1, rel1, sh1, st1, sr1))

    def fire(c, b):
        head_v, tail_v, rel_v, sh, st, sr = bufs[b]
        off = c * C
        pltpu.async_copy(node_hbm.at[idx_s.at[pl.ds(off, C)]], head_v, sh)
        pltpu.async_copy(node_hbm.at[idx_d.at[pl.ds(off, C)]], tail_v, st)
        pltpu.async_copy(edge_hbm.at[pl.ds(base + off, C)], rel_v, sr)

    def wait(c, b):
        head_v, tail_v, rel_v, sh, st, sr = bufs[b]
        off = c * C
        pltpu.make_async_copy(
            node_hbm.at[idx_s.at[pl.ds(off, C)]], head_v, sh).wait()
        pltpu.make_async_copy(
            node_hbm.at[idx_d.at[pl.ds(off, C)]], tail_v, st).wait()
        pltpu.make_async_copy(
            edge_hbm.at[pl.ds(base + off, C)], rel_v, sr).wait()

    lane = lax.iota(jnp.int32, L)

    def compute(c, b):
        head_v, tail_v, rel_v = bufs[b][:3]

        lane15 = lane == (L - 1)

        def edge_body(e, _):
            acc0 = jnp.zeros((L,), jnp.float32)
            acc1 = jnp.zeros((L,), jnp.float32)
            for k in range(D // 32):
                h = plsc.bitcast(head_v[e, pl.ds(L * k, L)], jnp.bfloat16)
                t = plsc.bitcast(tail_v[e, pl.ds(L * k, L)], jnp.bfloat16)
                p0, p1 = plsc.unpack(
                    h * t, format=plsc.PackFormat.INTERLEAVED)
                acc0 = acc0 + p0 * rel_v[e, pl.ds(32 * k, L)]
                acc1 = acc1 + p1 * rel_v[e, pl.ds(32 * k + L, L)]
            s_vec = plsc.cumsum(acc0 + acc1)
            pos = jnp.full((L,), c * C + e, jnp.int32)
            plsc.store_scatter(scores_all, [pos], s_vec, mask=lane15)
            return 0

        lax.fori_loop(0, C, edge_body, 0)

    fire(0, 0)

    def pair_body(k, _):
        c0 = 2 * k
        fire(c0 + 1, 1)
        wait(c0, 0)
        compute(c0, 0)
        fire(c0 + 2, 0)
        wait(c0 + 1, 1)
        compute(c0 + 1, 1)
        return 0

    lax.fori_loop(0, (NCHUNK - 1) // 2, pair_body, 0)
    wait(NCHUNK - 1, 0)
    compute(NCHUNK - 1, 0)

    pltpu.sync_copy(scores_all, out_hbm.at[pl.ds(base, EPW)])


@jax.jit
def _dist_mult(src_idx, dst_idx, node_bf, edge_emb):
    mesh = plsc.VectorSubcoreMesh(
        core_axis_name="c", subcore_axis_name="s",
        num_cores=NC, num_subcores=NS)
    return pl.kernel(
        _dist_mult_body,
        out_type=jax.ShapeDtypeStruct((N_EDGES,), jnp.float32),
        mesh=mesh,
        scratch_types=[
            pltpu.VMEM((EPW,), jnp.int32),
            pltpu.VMEM((EPW,), jnp.int32),
            pltpu.VMEM((EPW,), jnp.float32),
            pltpu.VMEM((C, D // 2), jnp.int32),
            pltpu.VMEM((C, D // 2), jnp.int32),
            pltpu.VMEM((C, D), jnp.float32),
            pltpu.VMEM((C, D // 2), jnp.int32),
            pltpu.VMEM((C, D // 2), jnp.int32),
            pltpu.VMEM((C, D), jnp.float32),
            pltpu.SemaphoreType.DMA,
            pltpu.SemaphoreType.DMA,
            pltpu.SemaphoreType.DMA,
            pltpu.SemaphoreType.DMA,
            pltpu.SemaphoreType.DMA,
            pltpu.SemaphoreType.DMA,
        ],
        compiler_params=pltpu.CompilerParams(
            needs_layout_passes=False, use_tc_tiling_on_sc=False),
    )(src_idx, dst_idx, node_bf, edge_emb)


def kernel(node_emb, edge_emb, edge_index):
    src = edge_index[0].astype(jnp.int32)
    dst = edge_index[1].astype(jnp.int32)
    node_bf = (node_emb.reshape(N_NODES, D // 32, 2, L)
               .transpose(0, 1, 3, 2)
               .astype(jnp.bfloat16))
    node_i32 = lax.bitcast_convert_type(node_bf, jnp.int32)
    node_i32 = node_i32.reshape(N_NODES, D // 2)
    return _dist_mult(src, dst, node_i32, edge_emb)

# --- scband reference (transcript-rebuilt; emitter-appended) ---
"""Pipeline reference for scband-dist-mult-score-1872605741811 (READ-ONLY COPY).

The authoritative reference and input builder live on the scoring server;
editing this copy changes nothing except your own understanding.
"""

import jax, jax.numpy as jnp
import numpy as np

N_NODES = 10000
N_EDGES = 320000
D = 128


def setup_inputs(seed: int = 0) -> dict:
    key = jax.random.key(seed)
    k1, k2, k3 = jax.random.split(key, 3)
    node_emb = jax.random.normal(k1, (N_NODES, D), dtype=jnp.float32)
    edge_emb = jax.random.normal(k2, (N_EDGES, D), dtype=jnp.float32)
    edge_index = jax.random.randint(k3, (2, N_EDGES), 0, N_NODES, dtype=jnp.int64)
    return {"node_emb": node_emb, "edge_emb": edge_emb, "edge_index": edge_index}


def reference(node_emb, edge_emb, edge_index):
    # DistMult edge_func: score = sum(head * rel * tail, dim=-1) per edge.
    # g.apply_edges gathers src ('head') and dst ('tail') node embeddings and
    # the per-edge relation embedding ('rel'), then computes the triple product.
    src = edge_index[0]
    dst = edge_index[1]
    head = jnp.take(node_emb, src, axis=0)   # gather src embeddings
    tail = jnp.take(node_emb, dst, axis=0)   # gather dst embeddings
    score = jnp.sum(head * edge_emb * tail, axis=-1)
    return score

if __name__ == "__main__":
    import jax
    _d = setup_inputs()
    print(jax.jit(kernel)(*tuple(_d.values())))

</pallas_src>

<mosaic_0001>
#map = affine_map<(d0, d1) -> (0)>
#map1 = affine_map<(d0, d1) -> (0, 0)>
module attributes {stable_mosaic.version = 14 : i64} {
  func.func @_dist_mult_body(%arg0: i32, %arg1: i32, %arg2: memref<320000xi32, #tpu.memory_space<hbm>>, %arg3: memref<320000xi32, #tpu.memory_space<hbm>>, %arg4: memref<10000x64xi32, #tpu.memory_space<hbm>>, %arg5: memref<320000x128xf32, #tpu.memory_space<hbm>>, %arg6: memref<320000xf32, #tpu.memory_space<hbm>>, %arg7: memref<10000xi32, #tpu.memory_space<vmem>>, %arg8: memref<10000xi32, #tpu.memory_space<vmem>>, %arg9: memref<10000xf32, #tpu.memory_space<vmem>>, %arg10: memref<80x64xi32, #tpu.memory_space<vmem>>, %arg11: memref<80x64xi32, #tpu.memory_space<vmem>>, %arg12: memref<80x128xf32, #tpu.memory_space<vmem>>, %arg13: memref<80x64xi32, #tpu.memory_space<vmem>>, %arg14: memref<80x64xi32, #tpu.memory_space<vmem>>, %arg15: memref<80x128xf32, #tpu.memory_space<vmem>>, %arg16: memref<!tpu.dma_semaphore, #tpu.memory_space<semaphore_mem>>, %arg17: memref<!tpu.dma_semaphore, #tpu.memory_space<semaphore_mem>>, %arg18: memref<!tpu.dma_semaphore, #tpu.memory_space<semaphore_mem>>, %arg19: memref<!tpu.dma_semaphore, #tpu.memory_space<semaphore_mem>>, %arg20: memref<!tpu.dma_semaphore, #tpu.memory_space<semaphore_mem>>, %arg21: memref<!tpu.dma_semaphore, #tpu.memory_space<semaphore_mem>>) attributes {dimension_semantics = [#tpu.dimension_semantics<core_parallel>, #tpu.dimension_semantics<subcore_parallel>], iteration_bounds = array<i64: 2, 16>, scalar_prefetch = 0 : i64, scratch_operands = 15 : i64, tpu.core_type = #tpu.core_type<sc_vector_subcore>, window_params = [{transform_indices = #map}, {transform_indices = #map}, {transform_indices = #map1}, {transform_indices = #map1}, {transform_indices = #map}]} {
    %mul3A = arith.constant 16 : i32
    %mul3A_0 = arith.muli %arg0, %mul3A : i32
    %add3A = arith.addi %mul3A_0, %arg1 : i32
    %mul3A_1 = arith.constant 10000 : i32
    %mul3A_2 = arith.muli %add3A, %mul3A_1 : i32
    "tpu.region"() ({
      %run_scoped3A = tpu.sem_alloc : memref<!tpu.dma_semaphore, #tpu.memory_space<semaphore_mem>>
      %dma_start3A_48 = tpu.memref_slice %arg2[%mul3A_2] : memref<320000xi32, #tpu.memory_space<hbm>> -> memref<10000xi32, #tpu.memory_space<hbm>>
      %dma_start3A_49 = tpu.memref_slice %arg2[%mul3A_2] : memref<320000xi32, #tpu.memory_space<hbm>> -> memref<10000xi32, #tpu.memory_space<hbm>>
      tpu.enqueue_dma source(%dma_start3A_49 : memref<10000xi32, #tpu.memory_space<hbm>>) target(%arg7 : memref<10000xi32, #tpu.memory_space<vmem>>) target_semaphore(%run_scoped3A : memref<!tpu.dma_semaphore, #tpu.memory_space<semaphore_mem>>)
      %dma_wait3A_50 = tpu.memref_slice %arg2[%mul3A_2] : memref<320000xi32, #tpu.memory_space<hbm>> -> memref<10000xi32, #tpu.memory_space<hbm>>
      %dma_wait3A_51 = tpu.memref_slice %arg2[%mul3A_2] : memref<320000xi32, #tpu.memory_space<hbm>> -> memref<10000xi32, #tpu.memory_space<hbm>>
      tpu.wait_dma2 semaphore(%run_scoped3A : memref<!tpu.dma_semaphore, #tpu.memory_space<semaphore_mem>>) src(%dma_wait3A_51 : memref<10000xi32, #tpu.memory_space<hbm>>) dst(%arg7 : memref<10000xi32, #tpu.memory_space<vmem>>)
      tpu.yield
    }) : () -> ()
    "tpu.region"() ({
      %run_scoped3A = tpu.sem_alloc : memref<!tpu.dma_semaphore, #tpu.memory_space<semaphore_mem>>
      %dma_start3A_48 = tpu.memref_slice %arg3[%mul3A_2] : memref<320000xi32, #tpu.memory_space<hbm>> -> memref<10000xi32, #tpu.memory_space<hbm>>
      %dma_start3A_49 = tpu.memref_slice %arg3[%mul3A_2] : memref<320000xi32, #tpu.memory_space<hbm>> -> memref<10000xi32, #tpu.memory_space<hbm>>
      tpu.enqueue_dma source(%dma_start3A_49 : memref<10000xi32, #tpu.memory_space<hbm>>) target(%arg8 : memref<10000xi32, #tpu.memory_space<vmem>>) target_semaphore(%run_scoped3A : memref<!tpu.dma_semaphore, #tpu.memory_space<semaphore_mem>>)
      %dma_wait3A_50 = tpu.memref_slice %arg3[%mul3A_2] : memref<320000xi32, #tpu.memory_space<hbm>> -> memref<10000xi32, #tpu.memory_space<hbm>>
      %dma_wait3A_51 = tpu.memref_slice %arg3[%mul3A_2] : memref<320000xi32, #tpu.memory_space<hbm>> -> memref<10000xi32, #tpu.memory_space<hbm>>
      tpu.wait_dma2 semaphore(%run_scoped3A : memref<!tpu.dma_semaphore, #tpu.memory_space<semaphore_mem>>) src(%dma_wait3A_51 : memref<10000xi32, #tpu.memory_space<hbm>>) dst(%arg8 : memref<10000xi32, #tpu.memory_space<vmem>>)
      tpu.yield
    }) : () -> ()
    %iota3A = tpu.iota {dimensions = array<i32: 0>} : vector<16xi32>
    %dma_start3A = arith.constant 0 : i32
    %dma_start3A_3 = tpu.memref_slice %arg7[%dma_start3A] : memref<10000xi32, #tpu.memory_space<vmem>> -> memref<80xi32, #tpu.memory_space<vmem>>
    %dma_start3A_4 = arith.constant 0 : i32
    %dma_start3A_5 = arith.constant 0 : i32
    %dma_start3A_6 = tpu.memref_slice %arg4[%dma_start3A_4, %dma_start3A_5] : memref<10000x64xi32, #tpu.memory_space<hbm>> -> memref<10000x64xi32, #tpu.memory_space<hbm>>
    tpu.enqueue_indirect_dma source(%dma_start3A_6 : memref<10000x64xi32, #tpu.memory_space<hbm>>) target(%arg10 : memref<80x64xi32, #tpu.memory_space<vmem>>) offsets(%dma_start3A_3 : memref<80xi32, #tpu.memory_space<vmem>>) semaphore(%arg16 : memref<!tpu.dma_semaphore, #tpu.memory_space<semaphore_mem>>)
    %dma_start3A_7 = arith.constant 0 : i32
    %dma_start3A_8 = tpu.memref_slice %arg8[%dma_start3A_7] : memref<10000xi32, #tpu.memory_space<vmem>> -> memref<80xi32, #tpu.memory_space<vmem>>
    %dma_start3A_9 = arith.constant 0 : i32
    %dma_start3A_10 = arith.constant 0 : i32
    %dma_start3A_11 = tpu.memref_slice %arg4[%dma_start3A_9, %dma_start3A_10] : memref<10000x64xi32, #tpu.memory_space<hbm>> -> memref<10000x64xi32, #tpu.memory_space<hbm>>
    tpu.enqueue_indirect_dma source(%dma_start3A_11 : memref<10000x64xi32, #tpu.memory_space<hbm>>) target(%arg11 : memref<80x64xi32, #tpu.memory_space<vmem>>) offsets(%dma_start3A_8 : memref<80xi32, #tpu.memory_space<vmem>>) semaphore(%arg17 : memref<!tpu.dma_semaphore, #tpu.memory_space<semaphore_mem>>)
    %add3A_12 = arith.constant 0 : i32
    %add3A_13 = arith.addi %mul3A_2, %add3A_12 : i32
    %dma_start3A_14 = arith.constant 0 : i32
    %dma_start3A_15 = tpu.memref_slice %arg5[%add3A_13, %dma_start3A_14] : memref<320000x128xf32, #tpu.memory_space<hbm>> -> memref<80x128xf32, #tpu.memory_space<hbm>>
    %dma_start3A_16 = arith.constant 0 : i32
    %dma_start3A_17 = tpu.memref_slice %arg5[%add3A_13, %dma_start3A_16] : memref<320000x128xf32, #tpu.memory_space<hbm>> -> memref<80x128xf32, #tpu.memory_space<hbm>>
    tpu.enqueue_dma source(%dma_start3A_17 : memref<80x128xf32, #tpu.memory_space<hbm>>) target(%arg12 : memref<80x128xf32, #tpu.memory_space<vmem>>) target_semaphore(%arg18 : memref<!tpu.dma_semaphore, #tpu.memory_space<semaphore_mem>>)
    %scan3A = arith.constant 0 : i32
    %scan3A_18 = arith.constant 0 : i32
    %scan3A_19 = arith.constant 62 : i32
    %scan3A_20 = arith.addi %scan3A_18, %scan3A_19 : i32
    %scan3A_21 = arith.constant 1 : i32
    %scan3A_22 = scf.for %scan3A_48 = %scan3A_18 to %scan3A_20 step %scan3A_21 iter_args(%scan3A_49 = %scan3A) -> (i32)  : i32 {
      %mul3A_50 = arith.constant 2 : i32
      %mul3A_51 = arith.muli %mul3A_50, %scan3A_48 : i32
      %add3A_52 = arith.constant 1 : i32
      %add3A_53 = arith.addi %mul3A_51, %add3A_52 : i32
      %mul3A_54 = arith.constant 80 : i32
      %mul3A_55 = arith.muli %add3A_53, %mul3A_54 : i32
      %dma_start3A_56 = tpu.memref_slice %arg7[%mul3A_55] : memref<10000xi32, #tpu.memory_space<vmem>> -> memref<80xi32, #tpu.memory_space<vmem>>
      %dma_start3A_57 = arith.constant 0 : i32
      %dma_start3A_58 = arith.constant 0 : i32
      %dma_start3A_59 = tpu.memref_slice %arg4[%dma_start3A_57, %dma_start3A_58] : memref<10000x64xi32, #tpu.memory_space<hbm>> -> memref<10000x64xi32, #tpu.memory_space<hbm>>
      tpu.enqueue_indirect_dma source(%dma_start3A_59 : memref<10000x64xi32, #tpu.memory_space<hbm>>) target(%arg13 : memref<80x64xi32, #tpu.memory_space<vmem>>) offsets(%dma_start3A_56 : memref<80xi32, #tpu.memory_space<vmem>>) semaphore(%arg19 : memref<!tpu.dma_semaphore, #tpu.memory_space<semaphore_mem>>)
      %dma_start3A_60 = tpu.memref_slice %arg8[%mul3A_55] : memref<10000xi32, #tpu.memory_space<vmem>> -> memref<80xi32, #tpu.memory_space<vmem>>
      %dma_start3A_61 = arith.constant 0 : i32
      %dma_start3A_62 = arith.constant 0 : i32
      %dma_start3A_63 = tpu.memref_slice %arg4[%dma_start3A_61, %dma_start3A_62] : memref<10000x64xi32, #tpu.memory_space<hbm>> -> memref<10000x64xi32, #tpu.memory_space<hbm>>
      tpu.enqueue_indirect_dma source(%dma_start3A_63 : memref<10000x64xi32, #tpu.memory_space<hbm>>) target(%arg14 : memref<80x64xi32, #tpu.memory_space<vmem>>) offsets(%dma_start3A_60 : memref<80xi32, #tpu.memory_space<vmem>>) semaphore(%arg20 : memref<!tpu.dma_semaphore, #tpu.memory_space<semaphore_mem>>)
      %add3A_64 = arith.addi %mul3A_2, %mul3A_55 : i32
      %dma_start3A_65 = arith.constant 0 : i32
      %dma_start3A_66 = tpu.memref_slice %arg5[%add3A_64, %dma_start3A_65] : memref<320000x128xf32, #tpu.memory_space<hbm>> -> memref<80x128xf32, #tpu.memory_space<hbm>>
      %dma_start3A_67 = arith.constant 0 : i32
      %dma_start3A_68 = tpu.memref_slice %arg5[%add3A_64, %dma_start3A_67] : memref<320000x128xf32, #tpu.memory_space<hbm>> -> memref<80x128xf32, #tpu.memory_space<hbm>>
      tpu.enqueue_dma source(%dma_start3A_68 : memref<80x128xf32, #tpu.memory_space<hbm>>) target(%arg15 : memref<80x128xf32, #tpu.memory_space<vmem>>) target_semaphore(%arg21 : memref<!tpu.dma_semaphore, #tpu.memory_space<semaphore_mem>>)
      %mul3A_69 = arith.constant 80 : i32
      %mul3A_70 = arith.muli %mul3A_51, %mul3A_69 : i32
      %dma_wait3A_71 = tpu.memref_slice %arg7[%mul3A_70] : memref<10000xi32, #tpu.memory_space<vmem>> -> memref<80xi32, #tpu.memory_space<vmem>>
      %dma_wait3A_72 = arith.constant 0 : i32
      %dma_wait3A_73 = arith.constant 0 : i32
      %dma_wait3A_74 = tpu.memref_slice %arg4[%dma_wait3A_72, %dma_wait3A_73] : memref<10000x64xi32, #tpu.memory_space<hbm>> -> memref<10000x64xi32, #tpu.memory_space<hbm>>
      tpu.wait_indirect_dma semaphore(%arg16 : memref<!tpu.dma_semaphore, #tpu.memory_space<semaphore_mem>>) src(%dma_wait3A_74 : memref<10000x64xi32, #tpu.memory_space<hbm>>) dst(%arg10 : memref<80x64xi32, #tpu.memory_space<vmem>>)
      %dma_wait3A_75 = tpu.memref_slice %arg8[%mul3A_70] : memref<10000xi32, #tpu.memory_space<vmem>> -> memref<80xi32, #tpu.memory_space<vmem>>
      %dma_wait3A_76 = arith.constant 0 : i32
      %dma_wait3A_77 = arith.constant 0 : i32
      %dma_wait3A_78 = tpu.memref_slice %arg4[%dma_wait3A_76, %dma_wait3A_77] : memref<10000x64xi32, #tpu.memory_space<hbm>> -> memref<10000x64xi32, #tpu.memory_space<hbm>>
      tpu.wait_indirect_dma semaphore(%arg17 : memref<!tpu.dma_semaphore, #tpu.memory_space<semaphore_mem>>) src(%dma_wait3A_78 : memref<10000x64xi32, #tpu.memory_space<hbm>>) dst(%arg11 : memref<80x64xi32, #tpu.memory_space<vmem>>)
      %add3A_79 = arith.addi %mul3A_2, %mul3A_70 : i32
      %dma_wait3A_80 = arith.constant 0 : i32
      %dma_wait3A_81 = tpu.memref_slice %arg5[%add3A_79, %dma_wait3A_80] : memref<320000x128xf32, #tpu.memory_space<hbm>> -> memref<80x128xf32, #tpu.memory_space<hbm>>
      %dma_wait3A_82 = arith.constant 0 : i32
      %dma_wait3A_83 = tpu.memref_slice %arg5[%add3A_79, %dma_wait3A_82] : memref<320000x128xf32, #tpu.memory_space<hbm>> -> memref<80x128xf32, #tpu.memory_space<hbm>>
      tpu.wait_dma2 semaphore(%arg18 : memref<!tpu.dma_semaphore, #tpu.memory_space<semaphore_mem>>) src(%dma_wait3A_83 : memref<80x128xf32, #tpu.memory_space<hbm>>) dst(%arg12 : memref<80x128xf32, #tpu.memory_space<vmem>>)
      %eq3A_84 = arith.constant 15 : i32
      %eq3A_85 = vector.broadcast %eq3A_84 : i32 to vector<16xi32>
      %eq3A_86 = arith.cmpi eq, %iota3A, %eq3A_85 : vector<16xi32>
      %scan3A_87 = arith.constant 0 : i32
      %scan3A_88 = arith.constant 0 : i32
      %scan3A_89 = arith.constant 80 : i32
      %scan3A_90 = arith.addi %scan3A_88, %scan3A_89 : i32
      %scan3A_91 = arith.constant 1 : i32
      %scan3A_92 = scf.for %scan3A_141 = %scan3A_88 to %scan3A_90 step %scan3A_91 iter_args(%scan3A_142 = %scan3A_87) -> (i32)  : i32 {
        %broadcast_in_dim3A = arith.constant 0.000000e+00 : f32
        %broadcast_in_dim3A_143 = vector.broadcast %broadcast_in_dim3A : f32 to vector<16xf32>
        %broadcast_in_dim3A_144 = arith.constant 0.000000e+00 : f32
        %broadcast_in_dim3A_145 = vector.broadcast %broadcast_in_dim3A_144 : f32 to vector<16xf32>
        %get3A = arith.index_cast %scan3A_141 : i32 to index
        %get3A_146 = arith.constant 0 : index
        %get3A_147 = tpu.vector_load %arg10[%get3A, %get3A_146] {strides = array<i32>} : memref<80x64xi32, #tpu.memory_space<vmem>>, vector<16xi32>,
        %bitcast3A = vector.bitcast %get3A_147 : vector<16xi32> to vector<32xbf16>
        %get3A_148 = arith.index_cast %scan3A_141 : i32 to index
        %get3A_149 = arith.constant 0 : index
        %get3A_150 = tpu.vector_load %arg11[%get3A_148, %get3A_149] {strides = array<i32>} : memref<80x64xi32, #tpu.memory_space<vmem>>, vector<16xi32>,
        %bitcast3A_151 = vector.bitcast %get3A_150 : vector<16xi32> to vector<32xbf16>
        %mul3A_152 = arith.mulf %bitcast3A, %bitcast3A_151 : vector<32xbf16>
        %unpack3A = tpu.unpack_subelements %mul3A_152, 0 {pack_format = #tpu.pack_format<interleaved>} : vector<32xbf16> -> vector<16xf32>
        %unpack3A_153 = tpu.unpack_subelements %mul3A_152, 1 {pack_format = #tpu.pack_format<interleaved>} : vector<32xbf16> -> vector<16xf32>
        %get3A_154 = arith.index_cast %scan3A_141 : i32 to index
        %get3A_155 = arith.constant 0 : index
        %get3A_156 = tpu.vector_load %arg12[%get3A_154, %get3A_155] {strides = array<i32>} : memref<80x128xf32, #tpu.memory_space<vmem>>, vector<16xf32>,
        %mul3A_157 = arith.mulf %unpack3A, %get3A_156 : vector<16xf32>
        %add3A_158 = arith.addf %broadcast_in_dim3A_143, %mul3A_157 : vector<16xf32>
        %get3A_159 = arith.index_cast %scan3A_141 : i32 to index
        %get3A_160 = arith.constant 16 : index
        %get3A_161 = tpu.vector_load %arg12[%get3A_159, %get3A_160] {strides = array<i32>} : memref<80x128xf32, #tpu.memory_space<vmem>>, vector<16xf32>,
        %mul3A_162 = arith.mulf %unpack3A_153, %get3A_161 : vector<16xf32>
        %add3A_163 = arith.addf %broadcast_in_dim3A_145, %mul3A_162 : vector<16xf32>
        %get3A_164 = arith.index_cast %scan3A_141 : i32 to index
        %get3A_165 = arith.constant 16 : index
        %get3A_166 = tpu.vector_load %arg10[%get3A_164, %get3A_165] {strides = array<i32>} : memref<80x64xi32, #tpu.memory_space<vmem>>, vector<16xi32>,
        %bitcast3A_167 = vector.bitcast %get3A_166 : vector<16xi32> to vector<32xbf16>
        %get3A_168 = arith.index_cast %scan3A_141 : i32 to index
        %get3A_169 = arith.constant 16 : index
        %get3A_170 = tpu.vector_load %arg11[%get3A_168, %get3A_169] {strides = array<i32>} : memref<80x64xi32, #tpu.memory_space<vmem>>, vector<16xi32>,
        %bitcast3A_171 = vector.bitcast %get3A_170 : vector<16xi32> to vector<32xbf16>
        %mul3A_172 = arith.mulf %bitcast3A_167, %bitcast3A_171 : vector<32xbf16>
        %unpack3A_173 = tpu.unpack_subelements %mul3A_172, 0 {pack_format = #tpu.pack_format<interleaved>} : vector<32xbf16> -> vector<16xf32>
        %unpack3A_174 = tpu.unpack_subelements %mul3A_172, 1 {pack_format = #tpu.pack_format<interleaved>} : vector<32xbf16> -> vector<16xf32>
        %get3A_175 = arith.index_cast %scan3A_141 : i32 to index
        %get3A_176 = arith.constant 32 : index
        %get3A_177 = tpu.vector_load %arg12[%get3A_175, %get3A_176] {strides = array<i32>} : memref<80x128xf32, #tpu.memory_space<vmem>>, vector<16xf32>,
        %mul3A_178 = arith.mulf %unpack3A_173, %get3A_177 : vector<16xf32>
        %add3A_179 = arith.addf %add3A_158, %mul3A_178 : vector<16xf32>
        %get3A_180 = arith.index_cast %scan3A_141 : i32 to index
        %get3A_181 = arith.constant 48 : index
        %get3A_182 = tpu.vector_load %arg12[%get3A_180, %get3A_181] {strides = array<i32>} : memref<80x128xf32, #tpu.memory_space<vmem>>, vector<16xf32>,
        %mul3A_183 = arith.mulf %unpack3A_174, %get3A_182 : vector<16xf32>
        %add3A_184 = arith.addf %add3A_163, %mul3A_183 : vector<16xf32>
        %get3A_185 = arith.index_cast %scan3A_141 : i32 to index
        %get3A_186 = arith.constant 32 : index
        %get3A_187 = tpu.vector_load %arg10[%get3A_185, %get3A_186] {strides = array<i32>} : memref<80x64xi32, #tpu.memory_space<vmem>>, vector<16xi32>,
        %bitcast3A_188 = vector.bitcast %get3A_187 : vector<16xi32> to vector<32xbf16>
        %get3A_189 = arith.index_cast %scan3A_141 : i32 to index
        %get3A_190 = arith.constant 32 : index
        %get3A_191 = tpu.vector_load %arg11[%get3A_189, %get3A_190] {strides = array<i32>} : memref<80x64xi32, #tpu.memory_space<vmem>>, vector<16xi32>,
        %bitcast3A_192 = vector.bitcast %get3A_191 : vector<16xi32> to vector<32xbf16>
        %mul3A_193 = arith.mulf %bitcast3A_188, %bitcast3A_192 : vector<32xbf16>
        %unpack3A_194 = tpu.unpack_subelements %mul3A_193, 0 {pack_format = #tpu.pack_format<interleaved>} : vector<32xbf16> -> vector<16xf32>
        %unpack3A_195 = tpu.unpack_subelements %mul3A_193, 1 {pack_format = #tpu.pack_format<interleaved>} : vector<32xbf16> -> vector<16xf32>
        %get3A_196 = arith.index_cast %scan3A_141 : i32 to index
        %get3A_197 = arith.constant 64 : index
        %get3A_198 = tpu.vector_load %arg12[%get3A_196, %get3A_197] {strides = array<i32>} : memref<80x128xf32, #tpu.memory_space<vmem>>, vector<16xf32>,
        %mul3A_199 = arith.mulf %unpack3A_194, %get3A_198 : vector<16xf32>
        %add3A_200 = arith.addf %add3A_179, %mul3A_199 : vector<16xf32>
        %get3A_201 = arith.index_cast %scan3A_141 : i32 to index
        %get3A_202 = arith.constant 80 : index
        %get3A_203 = tpu.vector_load %arg12[%get3A_201, %get3A_202] {strides = array<i32>} : memref<80x128xf32, #tpu.memory_space<vmem>>, vector<16xf32>,
        %mul3A_204 = arith.mulf %unpack3A_195, %get3A_203 : vector<16xf32>
        %add3A_205 = arith.addf %add3A_184, %mul3A_204 : vector<16xf32>
        %get3A_206 = arith.index_cast %scan3A_141 : i32 to index
        %get3A_207 = arith.constant 48 : index
        %get3A_208 = tpu.vector_load %arg10[%get3A_206, %get3A_207] {strides = array<i32>} : memref<80x64xi32, #tpu.memory_space<vmem>>, vector<16xi32>,
        %bitcast3A_209 = vector.bitcast %get3A_208 : vector<16xi32> to vector<32xbf16>
        %get3A_210 = arith.index_cast %scan3A_141 : i32 to index
        %get3A_211 = arith.constant 48 : index
        %get3A_212 = tpu.vector_load %arg11[%get3A_210, %get3A_211] {strides = array<i32>} : memref<80x64xi32, #tpu.memory_space<vmem>>, vector<16xi32>,
        %bitcast3A_213 = vector.bitcast %get3A_212 : vector<16xi32> to vector<32xbf16>
        %mul3A_214 = arith.mulf %bitcast3A_209, %bitcast3A_213 : vector<32xbf16>
        %unpack3A_215 = tpu.unpack_subelements %mul3A_214, 0 {pack_format = #tpu.pack_format<interleaved>} : vector<32xbf16> -> vector<16xf32>
        %unpack3A_216 = tpu.unpack_subelements %mul3A_214, 1 {pack_format = #tpu.pack_format<interleaved>} : vector<32xbf16> -> vector<16xf32>
        %get3A_217 = arith.index_cast %scan3A_141 : i32 to index
        %get3A_218 = arith.constant 96 : index
        %get3A_219 = tpu.vector_load %arg12[%get3A_217, %get3A_218] {strides = array<i32>} : memref<80x128xf32, #tpu.memory_space<vmem>>, vector<16xf32>,
        %mul3A_220 = arith.mulf %unpack3A_215, %get3A_219 : vector<16xf32>
        %add3A_221 = arith.addf %add3A_200, %mul3A_220 : vector<16xf32>
        %get3A_222 = arith.index_cast %scan3A_141 : i32 to index
        %get3A_223 = arith.constant 112 : index
        %get3A_224 = tpu.vector_load %arg12[%get3A_222, %get3A_223] {strides = array<i32>} : memref<80x128xf32, #tpu.memory_space<vmem>>, vector<16xf32>,
        %mul3A_225 = arith.mulf %unpack3A_216, %get3A_224 : vector<16xf32>
        %add3A_226 = arith.addf %add3A_205, %mul3A_225 : vector<16xf32>
        %add3A_227 = arith.addf %add3A_221, %add3A_226 : vector<16xf32>
        %broadcast_in_dim3A_228 = arith.constant true
        %broadcast_in_dim3A_229 = vector.broadcast %broadcast_in_dim3A_228 : i1 to vector<16xi1>
        %masked_cumsum3A = tpu.scan <sum>, %add3A_227 masked %broadcast_in_dim3A_229 : vector<16xf32>, vector<16xi1> -> vector<16xf32>
        %mul3A_230 = arith.constant 80 : i32
        %mul3A_231 = arith.muli %mul3A_51, %mul3A_230 : i32
        %add3A_232 = arith.addi %mul3A_231, %scan3A_141 : i32
        %broadcast_in_dim3A_233 = vector.broadcast %add3A_232 : i32 to vector<16xi32>
        tpu.vector_store_idx %arg9[%broadcast_in_dim3A_233], %masked_cumsum3A masked %eq3A_86 : memref<10000xf32, #tpu.memory_space<vmem>>[vector<16xi32>], vector<16xf32>, vector<16xi1>
        %scan3A_234 = arith.constant 0 : i32
        scf.yield %scan3A_234 : i32
      }
      %scan3A_93 = arith.constant 80 : i32
      %add3A_94 = arith.constant 2 : i32
      %add3A_95 = arith.addi %mul3A_51, %add3A_94 : i32
      %mul3A_96 = arith.constant 80 : i32
      %mul3A_97 = arith.muli %add3A_95, %mul3A_96 : i32
      %dma_start3A_98 = tpu.memref_slice %arg7[%mul3A_97] : memref<10000xi32, #tpu.memory_space<vmem>> -> memref<80xi32, #tpu.memory_space<vmem>>
      %dma_start3A_99 = arith.constant 0 : i32
      %dma_start3A_100 = arith.constant 0 : i32
      %dma_start3A_101 = tpu.memref_slice %arg4[%dma_start3A_99, %dma_start3A_100] : memref<10000x64xi32, #tpu.memory_space<hbm>> -> memref<10000x64xi32, #tpu.memory_space<hbm>>
      tpu.enqueue_indirect_dma source(%dma_start3A_101 : memref<10000x64xi32, #tpu.memory_space<hbm>>) target(%arg10 : memref<80x64xi32, #tpu.memory_space<vmem>>) offsets(%dma_start3A_98 : memref<80xi32, #tpu.memory_space<vmem>>) semaphore(%arg16 : memref<!tpu.dma_semaphore, #tpu.memory_space<semaphore_mem>>)
      %dma_start3A_102 = tpu.memref_slice %arg8[%mul3A_97] : memref<10000xi32, #tpu.memory_space<vmem>> -> memref<80xi32, #tpu.memory_space<vmem>>
      %dma_start3A_103 = arith.constant 0 : i32
      %dma_start3A_104 = arith.constant 0 : i32
      %dma_start3A_105 = tpu.memref_slice %arg4[%dma_start3A_103, %dma_start3A_104] : memref<10000x64xi32, #tpu.memory_space<hbm>> -> memref<10000x64xi32, #tpu.memory_space<hbm>>
      tpu.enqueue_indirect_dma source(%dma_start3A_105 : memref<10000x64xi32, #tpu.memory_space<hbm>>) target(%arg11 : memref<80x64xi32, #tpu.memory_space<vmem>>) offsets(%dma_start3A_102 : memref<80xi32, #tpu.memory_space<vmem>>) semaphore(%arg17 : memref<!tpu.dma_semaphore, #tpu.memory_space<semaphore_mem>>)
      %add3A_106 = arith.addi %mul3A_2, %mul3A_97 : i32
      %dma_start3A_107 = arith.constant 0 : i32
      %dma_start3A_108 = tpu.memref_slice %arg5[%add3A_106, %dma_start3A_107] : memref<320000x128xf32, #tpu.memory_space<hbm>> -> memref<80x128xf32, #tpu.memory_space<hbm>>
      %dma_start3A_109 = arith.constant 0 : i32
      %dma_start3A_110 = tpu.memref_slice %arg5[%add3A_106, %dma_start3A_109] : memref<320000x128xf32, #tpu.memory_space<hbm>> -> memref<80x128xf32, #tpu.memory_space<hbm>>
      tpu.enqueue_dma source(%dma_start3A_110 : memref<80x128xf32, #tpu.memory_space<hbm>>) target(%arg12 : memref<80x128xf32, #tpu.memory_space<vmem>>) target_semaphore(%arg18 : memref<!tpu.dma_semaphore, #tpu.memory_space<semaphore_mem>>)
      %add3A_111 = arith.constant 1 : i32
      %add3A_112 = arith.addi %mul3A_51, %add3A_111 : i32
      %mul3A_113 = arith.constant 80 : i32
      %mul3A_114 = arith.muli %add3A_112, %mul3A_113 : i32
      %dma_wait3A_115 = tpu.memref_slice %arg7[%mul3A_114] : memref<10000xi32, #tpu.memory_space<vmem>> -> memref<80xi32, #tpu.memory_space<vmem>>
      %dma_wait3A_116 = arith.constant 0 : i32
      %dma_wait3A_117 = arith.constant 0 : i32
      %dma_wait3A_118 = tpu.memref_slice %arg4[%dma_wait3A_116, %dma_wait3A_117] : memref<10000x64xi32, #tpu.memory_space<hbm>> -> memref<10000x64xi32, #tpu.memory_space<hbm>>
      tpu.wait_indirect_dma semaphore(%arg19 : memref<!tpu.dma_semaphore, #tpu.memory_space<semaphore_mem>>) src(%dma_wait3A_118 : memref<10000x64xi32, #tpu.memory_space<hbm>>) dst(%arg13 : memref<80x64xi32, #tpu.memory_space<vmem>>)
      %dma_wait3A_119 = tpu.memref_slice %arg8[%mul3A_114] : memref<10000xi32, #tpu.memory_space<vmem>> -> memref<80xi32, #tpu.memory_space<vmem>>
      %dma_wait3A_120 = arith.constant 0 : i32
      %dma_wait3A_121 = arith.constant 0 : i32
      %dma_wait3A_122 = tpu.memref_slice %arg4[%dma_wait3A_120, %dma_wait3A_121] : memref<10000x64xi32, #tpu.memory_space<hbm>> -> memref<10000x64xi32, #tpu.memory_space<hbm>>
      tpu.wait_indirect_dma semaphore(%arg20 : memref<!tpu.dma_semaphore, #tpu.memory_space<semaphore_mem>>) src(%dma_wait3A_122 : memref<10000x64xi32, #tpu.memory_space<hbm>>) dst(%arg14 : memref<80x64xi32, #tpu.memory_space<vmem>>)
      %add3A_123 = arith.addi %mul3A_2, %mul3A_114 : i32
      %dma_wait3A_124 = arith.constant 0 : i32
      %dma_wait3A_125 = tpu.memref_slice %arg5[%add3A_123, %dma_wait3A_124] : memref<320000x128xf32, #tpu.memory_space<hbm>> -> memref<80x128xf32, #tpu.memory_space<hbm>>
      %dma_wait3A_126 = arith.constant 0 : i32
      %dma_wait3A_127 = tpu.memref_slice %arg5[%add3A_123, %dma_wait3A_126] : memref<320000x128xf32, #tpu.memory_space<hbm>> -> memref<80x128xf32, #tpu.memory_space<hbm>>
      tpu.wait_dma2 semaphore(%arg21 : memref<!tpu.dma_semaphore, #tpu.memory_space<semaphore_mem>>) src(%dma_wait3A_127 : memref<80x128xf32, #tpu.memory_space<hbm>>) dst(%arg15 : memref<80x128xf32, #tpu.memory_space<vmem>>)
      %add3A_128 = arith.constant 1 : i32
      %add3A_129 = arith.addi %mul3A_51, %add3A_128 : i32
      %eq3A_130 = arith.constant 15 : i32
      %eq3A_131 = vector.broadcast %eq3A_130 : i32 to vector<16xi32>
      %eq3A_132 = arith.cmpi eq, %iota3A, %eq3A_131 : vector<16xi32>
      %scan3A_133 = arith.constant 0 : i32
      %scan3A_134 = arith.constant 0 : i32
      %scan3A_135 = arith.constant 80 : i32
      %scan3A_136 = arith.addi %scan3A_134, %scan3A_135 : i32
      %scan3A_137 = arith.constant 1 : i32
      %scan3A_138 = scf.for %scan3A_141 = %scan3A_134 to %scan3A_136 step %scan3A_137 iter_args(%scan3A_142 = %scan3A_133) -> (i32)  : i32 {
        %broadcast_in_dim3A = arith.constant 0.000000e+00 : f32
        %broadcast_in_dim3A_143 = vector.broadcast %broadcast_in_dim3A : f32 to vector<16xf32>
        %broadcast_in_dim3A_144 = arith.constant 0.000000e+00 : f32
        %broadcast_in_dim3A_145 = vector.broadcast %broadcast_in_dim3A_144 : f32 to vector<16xf32>
        %get3A = arith.index_cast %scan3A_141 : i32 to index
        %get3A_146 = arith.constant 0 : index
        %get3A_147 = tpu.vector_load %arg13[%get3A, %get3A_146] {strides = array<i32>} : memref<80x64xi32, #tpu.memory_space<vmem>>, vector<16xi32>,
        %bitcast3A = vector.bitcast %get3A_147 : vector<16xi32> to vector<32xbf16>
        %get3A_148 = arith.index_cast %scan3A_141 : i32 to index
        %get3A_149 = arith.constant 0 : index
        %get3A_150 = tpu.vector_load %arg14[%get3A_148, %get3A_149] {strides = array<i32>} : memref<80x64xi32, #tpu.memory_space<vmem>>, vector<16xi32>,
        %bitcast3A_151 = vector.bitcast %get3A_150 : vector<16xi32> to vector<32xbf16>
        %mul3A_152 = arith.mulf %bitcast3A, %bitcast3A_151 : vector<32xbf16>
        %unpack3A = tpu.unpack_subelements %mul3A_152, 0 {pack_format = #tpu.pack_format<interleaved>} : vector<32xbf16> -> vector<16xf32>
        %unpack3A_153 = tpu.unpack_subelements %mul3A_152, 1 {pack_format = #tpu.pack_format<interleaved>} : vector<32xbf16> -> vector<16xf32>
        %get3A_154 = arith.index_cast %scan3A_141 : i32 to index
        %get3A_155 = arith.constant 0 : index
        %get3A_156 = tpu.vector_load %arg15[%get3A_154, %get3A_155] {strides = array<i32>} : memref<80x128xf32, #tpu.memory_space<vmem>>, vector<16xf32>,
        %mul3A_157 = arith.mulf %unpack3A, %get3A_156 : vector<16xf32>
        %add3A_158 = arith.addf %broadcast_in_dim3A_143, %mul3A_157 : vector<16xf32>
        %get3A_159 = arith.index_cast %scan3A_141 : i32 to index
        %get3A_160 = arith.constant 16 : index
        %get3A_161 = tpu.vector_load %arg15[%get3A_159, %get3A_160] {strides = array<i32>} : memref<80x128xf32, #tpu.memory_space<vmem>>, vector<16xf32>,
        %mul3A_162 = arith.mulf %unpack3A_153, %get3A_161 : vector<16xf32>
        %add3A_163 = arith.addf %broadcast_in_dim3A_145, %mul3A_162 : vector<16xf32>
        %get3A_164 = arith.index_cast %scan3A_141 : i32 to index
        %get3A_165 = arith.constant 16 : index
        %get3A_166 = tpu.vector_load %arg13[%get3A_164, %get3A_165] {strides = array<i32>} : memref<80x64xi32, #tpu.memory_space<vmem>>, vector<16xi32>,
        %bitcast3A_167 = vector.bitcast %get3A_166 : vector<16xi32> to vector<32xbf16>
        %get3A_168 = arith.index_cast %scan3A_141 : i32 to index
        %get3A_169 = arith.constant 16 : index
        %get3A_170 = tpu.vector_load %arg14[%get3A_168, %get3A_169] {strides = array<i32>} : memref<80x64xi32, #tpu.memory_space<vmem>>, vector<16xi32>,
        %bitcast3A_171 = vector.bitcast %get3A_170 : vector<16xi32> to vector<32xbf16>
        %mul3A_172 = arith.mulf %bitcast3A_167, %bitcast3A_171 : vector<32xbf16>
        %unpack3A_173 = tpu.unpack_subelements %mul3A_172, 0 {pack_format = #tpu.pack_format<interleaved>} : vector<32xbf16> -> vector<16xf32>
        %unpack3A_174 = tpu.unpack_subelements %mul3A_172, 1 {pack_format = #tpu.pack_format<interleaved>} : vector<32xbf16> -> vector<16xf32>
        %get3A_175 = arith.index_cast %scan3A_141 : i32 to index
        %get3A_176 = arith.constant 32 : index
        %get3A_177 = tpu.vector_load %arg15[%get3A_175, %get3A_176] {strides = array<i32>} : memref<80x128xf32, #tpu.memory_space<vmem>>, vector<16xf32>,
        %mul3A_178 = arith.mulf %unpack3A_173, %get3A_177 : vector<16xf32>
        %add3A_179 = arith.addf %add3A_158, %mul3A_178 : vector<16xf32>
        %get3A_180 = arith.index_cast %scan3A_141 : i32 to index
        %get3A_181 = arith.constant 48 : index
        %get3A_182 = tpu.vector_load %arg15[%get3A_180, %get3A_181] {strides = array<i32>} : memref<80x128xf32, #tpu.memory_space<vmem>>, vector<16xf32>,
        %mul3A_183 = arith.mulf %unpack3A_174, %get3A_182 : vector<16xf32>
        %add3A_184 = arith.addf %add3A_163, %mul3A_183 : vector<16xf32>
        %get3A_185 = arith.index_cast %scan3A_141 : i32 to index
        %get3A_186 = arith.constant 32 : index
        %get3A_187 = tpu.vector_load %arg13[%get3A_185, %get3A_186] {strides = array<i32>} : memref<80x64xi32, #tpu.memory_space<vmem>>, vector<16xi32>,
        %bitcast3A_188 = vector.bitcast %get3A_187 : vector<16xi32> to vector<32xbf16>
        %get3A_189 = arith.index_cast %scan3A_141 : i32 to index
        %get3A_190 = arith.constant 32 : index
        %get3A_191 = tpu.vector_load %arg14[%get3A_189, %get3A_190] {strides = array<i32>} : memref<80x64xi32, #tpu.memory_space<vmem>>, vector<16xi32>,
        %bitcast3A_192 = vector.bitcast %get3A_191 : vector<16xi32> to vector<32xbf16>
        %mul3A_193 = arith.mulf %bitcast3A_188, %bitcast3A_192 : vector<32xbf16>
        %unpack3A_194 = tpu.unpack_subelements %mul3A_193, 0 {pack_format = #tpu.pack_format<interleaved>} : vector<32xbf16> -> vector<16xf32>
        %unpack3A_195 = tpu.unpack_subelements %mul3A_193, 1 {pack_format = #tpu.pack_format<interleaved>} : vector<32xbf16> -> vector<16xf32>
        %get3A_196 = arith.index_cast %scan3A_141 : i32 to index
        %get3A_197 = arith.constant 64 : index
        %get3A_198 = tpu.vector_load %arg15[%get3A_196, %get3A_197] {strides = array<i32>} : memref<80x128xf32, #tpu.memory_space<vmem>>, vector<16xf32>,
        %mul3A_199 = arith.mulf %unpack3A_194, %get3A_198 : vector<16xf32>
        %add3A_200 = arith.addf %add3A_179, %mul3A_199 : vector<16xf32>
        %get3A_201 = arith.index_cast %scan3A_141 : i32 to index
        %get3A_202 = arith.constant 80 : index
        %get3A_203 = tpu.vector_load %arg15[%get3A_201, %get3A_202] {strides = array<i32>} : memref<80x128xf32, #tpu.memory_space<vmem>>, vector<16xf32>,
        %mul3A_204 = arith.mulf %unpack3A_195, %get3A_203 : vector<16xf32>
        %add3A_205 = arith.addf %add3A_184, %mul3A_204 : vector<16xf32>
        %get3A_206 = arith.index_cast %scan3A_141 : i32 to index
        %get3A_207 = arith.constant 48 : index
        %get3A_208 = tpu.vector_load %arg13[%get3A_206, %get3A_207] {strides = array<i32>} : memref<80x64xi32, #tpu.memory_space<vmem>>, vector<16xi32>,
        %bitcast3A_209 = vector.bitcast %get3A_208 : vector<16xi32> to vector<32xbf16>
        %get3A_210 = arith.index_cast %scan3A_141 : i32 to index
        %get3A_211 = arith.constant 48 : index
        %get3A_212 = tpu.vector_load %arg14[%get3A_210, %get3A_211] {strides = array<i32>} : memref<80x64xi32, #tpu.memory_space<vmem>>, vector<16xi32>,
        %bitcast3A_213 = vector.bitcast %get3A_212 : vector<16xi32> to vector<32xbf16>
        %mul3A_214 = arith.mulf %bitcast3A_209, %bitcast3A_213 : vector<32xbf16>
        %unpack3A_215 = tpu.unpack_subelements %mul3A_214, 0 {pack_format = #tpu.pack_format<interleaved>} : vector<32xbf16> -> vector<16xf32>
        %unpack3A_216 = tpu.unpack_subelements %mul3A_214, 1 {pack_format = #tpu.pack_format<interleaved>} : vector<32xbf16> -> vector<16xf32>
        %get3A_217 = arith.index_cast %scan3A_141 : i32 to index
        %get3A_218 = arith.constant 96 : index
        %get3A_219 = tpu.vector_load %arg15[%get3A_217, %get3A_218] {strides = array<i32>} : memref<80x128xf32, #tpu.memory_space<vmem>>, vector<16xf32>,
        %mul3A_220 = arith.mulf %unpack3A_215, %get3A_219 : vector<16xf32>
        %add3A_221 = arith.addf %add3A_200, %mul3A_220 : vector<16xf32>
        %get3A_222 = arith.index_cast %scan3A_141 : i32 to index
        %get3A_223 = arith.constant 112 : index
        %get3A_224 = tpu.vector_load %arg15[%get3A_222, %get3A_223] {strides = array<i32>} : memref<80x128xf32, #tpu.memory_space<vmem>>, vector<16xf32>,
        %mul3A_225 = arith.mulf %unpack3A_216, %get3A_224 : vector<16xf32>
        %add3A_226 = arith.addf %add3A_205, %mul3A_225 : vector<16xf32>
        %add3A_227 = arith.addf %add3A_221, %add3A_226 : vector<16xf32>
        %broadcast_in_dim3A_228 = arith.constant true
        %broadcast_in_dim3A_229 = vector.broadcast %broadcast_in_dim3A_228 : i1 to vector<16xi1>
        %masked_cumsum3A = tpu.scan <sum>, %add3A_227 masked %broadcast_in_dim3A_229 : vector<16xf32>, vector<16xi1> -> vector<16xf32>
        %mul3A_230 = arith.constant 80 : i32
        %mul3A_231 = arith.muli %add3A_129, %mul3A_230 : i32
        %add3A_232 = arith.addi %mul3A_231, %scan3A_141 : i32
        %broadcast_in_dim3A_233 = vector.broadcast %add3A_232 : i32 to vector<16xi32>
        tpu.vector_store_idx %arg9[%broadcast_in_dim3A_233], %masked_cumsum3A masked %eq3A_132 : memref<10000xf32, #tpu.memory_space<vmem>>[vector<16xi32>], vector<16xf32>, vector<16xi1>
        %scan3A_234 = arith.constant 0 : i32
        scf.yield %scan3A_234 : i32
      }
      %scan3A_139 = arith.constant 80 : i32
      %scan3A_140 = arith.constant 0 : i32
      scf.yield %scan3A_140 : i32
    }
    %scan3A_23 = arith.constant 62 : i32
    %dma_wait3A = arith.constant 9920 : i32
    %dma_wait3A_24 = tpu.memref_slice %arg7[%dma_wait3A] : memref<10000xi32, #tpu.memory_space<vmem>> -> memref<80xi32, #tpu.memory_space<vmem>>
    %dma_wait3A_25 = arith.constant 0 : i32
    %dma_wait3A_26 = arith.constant 0 : i32
    %dma_wait3A_27 = tpu.memref_slice %arg4[%dma_wait3A_25, %dma_wait3A_26] : memref<10000x64xi32, #tpu.memory_space<hbm>> -> memref<10000x64xi32, #tpu.memory_space<hbm>>
    tpu.wait_indirect_dma semaphore(%arg16 : memref<!tpu.dma_semaphore, #tpu.memory_space<semaphore_mem>>) src(%dma_wait3A_27 : memref<10000x64xi32, #tpu.memory_space<hbm>>) dst(%arg10 : memref<80x64xi32, #tpu.memory_space<vmem>>)
    %dma_wait3A_28 = arith.constant 9920 : i32
    %dma_wait3A_29 = tpu.memref_slice %arg8[%dma_wait3A_28] : memref<10000xi32, #tpu.memory_space<vmem>> -> memref<80xi32, #tpu.memory_space<vmem>>
    %dma_wait3A_30 = arith.constant 0 : i32
    %dma_wait3A_31 = arith.constant 0 : i32
    %dma_wait3A_32 = tpu.memref_slice %arg4[%dma_wait3A_30, %dma_wait3A_31] : memref<10000x64xi32, #tpu.memory_space<hbm>> -> memref<10000x64xi32, #tpu.memory_space<hbm>>
    tpu.wait_indirect_dma semaphore(%arg17 : memref<!tpu.dma_semaphore, #tpu.memory_space<semaphore_mem>>) src(%dma_wait3A_32 : memref<10000x64xi32, #tpu.memory_space<hbm>>) dst(%arg11 : memref<80x64xi32, #tpu.memory_space<vmem>>)
    %add3A_33 = arith.constant 9920 : i32
    %add3A_34 = arith.addi %mul3A_2, %add3A_33 : i32
    %dma_wait3A_35 = arith.constant 0 : i32
    %dma_wait3A_36 = tpu.memref_slice %arg5[%add3A_34, %dma_wait3A_35] : memref<320000x128xf32, #tpu.memory_space<hbm>> -> memref<80x128xf32, #tpu.memory_space<hbm>>
    %dma_wait3A_37 = arith.constant 0 : i32
    %dma_wait3A_38 = tpu.memref_slice %arg5[%add3A_34, %dma_wait3A_37] : memref<320000x128xf32, #tpu.memory_space<hbm>> -> memref<80x128xf32, #tpu.memory_space<hbm>>
    tpu.wait_dma2 semaphore(%arg18 : memref<!tpu.dma_semaphore, #tpu.memory_space<semaphore_mem>>) src(%dma_wait3A_38 : memref<80x128xf32, #tpu.memory_space<hbm>>) dst(%arg12 : memref<80x128xf32, #tpu.memory_space<vmem>>)
    %eq3A = arith.constant 15 : i32
    %eq3A_39 = vector.broadcast %eq3A : i32 to vector<16xi32>
    %eq3A_40 = arith.cmpi eq, %iota3A, %eq3A_39 : vector<16xi32>
    %scan3A_41 = arith.constant 0 : i32
    %scan3A_42 = arith.constant 0 : i32
    %scan3A_43 = arith.constant 80 : i32
    %scan3A_44 = arith.addi %scan3A_42, %scan3A_43 : i32
    %scan3A_45 = arith.constant 1 : i32
    %scan3A_46 = scf.for %scan3A_48 = %scan3A_42 to %scan3A_44 step %scan3A_45 iter_args(%scan3A_49 = %scan3A_41) -> (i32)  : i32 {
      %broadcast_in_dim3A = arith.constant 0.000000e+00 : f32
      %broadcast_in_dim3A_50 = vector.broadcast %broadcast_in_dim3A : f32 to vector<16xf32>
      %broadcast_in_dim3A_51 = arith.constant 0.000000e+00 : f32
      %broadcast_in_dim3A_52 = vector.broadcast %broadcast_in_dim3A_51 : f32 to vector<16xf32>
      %get3A = arith.index_cast %scan3A_48 : i32 to index
      %get3A_53 = arith.constant 0 : index
      %get3A_54 = tpu.vector_load %arg10[%get3A, %get3A_53] {strides = array<i32>} : memref<80x64xi32, #tpu.memory_space<vmem>>, vector<16xi32>,
      %bitcast3A = vector.bitcast %get3A_54 : vector<16xi32> to vector<32xbf16>
      %get3A_55 = arith.index_cast %scan3A_48 : i32 to index
      %get3A_56 = arith.constant 0 : index
      %get3A_57 = tpu.vector_load %arg11[%get3A_55, %get3A_56] {strides = array<i32>} : memref<80x64xi32, #tpu.memory_space<vmem>>, vector<16xi32>,
      %bitcast3A_58 = vector.bitcast %get3A_57 : vector<16xi32> to vector<32xbf16>
      %mul3A_59 = arith.mulf %bitcast3A, %bitcast3A_58 : vector<32xbf16>
      %unpack3A = tpu.unpack_subelements %mul3A_59, 0 {pack_format = #tpu.pack_format<interleaved>} : vector<32xbf16> -> vector<16xf32>
      %unpack3A_60 = tpu.unpack_subelements %mul3A_59, 1 {pack_format = #tpu.pack_format<interleaved>} : vector<32xbf16> -> vector<16xf32>
      %get3A_61 = arith.index_cast %scan3A_48 : i32 to index
      %get3A_62 = arith.constant 0 : index
      %get3A_63 = tpu.vector_load %arg12[%get3A_61, %get3A_62] {strides = array<i32>} : memref<80x128xf32, #tpu.memory_space<vmem>>, vector<16xf32>,
      %mul3A_64 = arith.mulf %unpack3A, %get3A_63 : vector<16xf32>
      %add3A_65 = arith.addf %broadcast_in_dim3A_50, %mul3A_64 : vector<16xf32>
      %get3A_66 = arith.index_cast %scan3A_48 : i32 to index
      %get3A_67 = arith.constant 16 : index
      %get3A_68 = tpu.vector_load %arg12[%get3A_66, %get3A_67] {strides = array<i32>} : memref<80x128xf32, #tpu.memory_space<vmem>>, vector<16xf32>,
      %mul3A_69 = arith.mulf %unpack3A_60, %get3A_68 : vector<16xf32>
      %add3A_70 = arith.addf %broadcast_in_dim3A_52, %mul3A_69 : vector<16xf32>
      %get3A_71 = arith.index_cast %scan3A_48 : i32 to index
      %get3A_72 = arith.constant 16 : index
      %get3A_73 = tpu.vector_load %arg10[%get3A_71, %get3A_72] {strides = array<i32>} : memref<80x64xi32, #tpu.memory_space<vmem>>, vector<16xi32>,
      %bitcast3A_74 = vector.bitcast %get3A_73 : vector<16xi32> to vector<32xbf16>
      %get3A_75 = arith.index_cast %scan3A_48 : i32 to index
      %get3A_76 = arith.constant 16 : index
      %get3A_77 = tpu.vector_load %arg11[%get3A_75, %get3A_76] {strides = array<i32>} : memref<80x64xi32, #tpu.memory_space<vmem>>, vector<16xi32>,
      %bitcast3A_78 = vector.bitcast %get3A_77 : vector<16xi32> to vector<32xbf16>
      %mul3A_79 = arith.mulf %bitcast3A_74, %bitcast3A_78 : vector<32xbf16>
      %unpack3A_80 = tpu.unpack_subelements %mul3A_79, 0 {pack_format = #tpu.pack_format<interleaved>} : vector<32xbf16> -> vector<16xf32>
      %unpack3A_81 = tpu.unpack_subelements %mul3A_79, 1 {pack_format = #tpu.pack_format<interleaved>} : vector<32xbf16> -> vector<16xf32>
      %get3A_82 = arith.index_cast %scan3A_48 : i32 to index
      %get3A_83 = arith.constant 32 : index
      %get3A_84 = tpu.vector_load %arg12[%get3A_82, %get3A_83] {strides = array<i32>} : memref<80x128xf32, #tpu.memory_space<vmem>>, vector<16xf32>,
      %mul3A_85 = arith.mulf %unpack3A_80, %get3A_84 : vector<16xf32>
      %add3A_86 = arith.addf %add3A_65, %mul3A_85 : vector<16xf32>
      %get3A_87 = arith.index_cast %scan3A_48 : i32 to index
      %get3A_88 = arith.constant 48 : index
      %get3A_89 = tpu.vector_load %arg12[%get3A_87, %get3A_88] {strides = array<i32>} : memref<80x128xf32, #tpu.memory_space<vmem>>, vector<16xf32>,
      %mul3A_90 = arith.mulf %unpack3A_81, %get3A_89 : vector<16xf32>
      %add3A_91 = arith.addf %add3A_70, %mul3A_90 : vector<16xf32>
      %get3A_92 = arith.index_cast %scan3A_48 : i32 to index
      %get3A_93 = arith.constant 32 : index
      %get3A_94 = tpu.vector_load %arg10[%get3A_92, %get3A_93] {strides = array<i32>} : memref<80x64xi32, #tpu.memory_space<vmem>>, vector<16xi32>,
      %bitcast3A_95 = vector.bitcast %get3A_94 : vector<16xi32> to vector<32xbf16>
      %get3A_96 = arith.index_cast %scan3A_48 : i32 to index
      %get3A_97 = arith.constant 32 : index
      %get3A_98 = tpu.vector_load %arg11[%get3A_96, %get3A_97] {strides = array<i32>} : memref<80x64xi32, #tpu.memory_space<vmem>>, vector<16xi32>,
      %bitcast3A_99 = vector.bitcast %get3A_98 : vector<16xi32> to vector<32xbf16>
      %mul3A_100 = arith.mulf %bitcast3A_95, %bitcast3A_99 : vector<32xbf16>
      %unpack3A_101 = tpu.unpack_subelements %mul3A_100, 0 {pack_format = #tpu.pack_format<interleaved>} : vector<32xbf16> -> vector<16xf32>
      %unpack3A_102 = tpu.unpack_subelements %mul3A_100, 1 {pack_format = #tpu.pack_format<interleaved>} : vector<32xbf16> -> vector<16xf32>
      %get3A_103 = arith.index_cast %scan3A_48 : i32 to index
      %get3A_104 = arith.constant 64 : index
      %get3A_105 = tpu.vector_load %arg12[%get3A_103, %get3A_104] {strides = array<i32>} : memref<80x128xf32, #tpu.memory_space<vmem>>, vector<16xf32>,
      %mul3A_106 = arith.mulf %unpack3A_101, %get3A_105 : vector<16xf32>
      %add3A_107 = arith.addf %add3A_86, %mul3A_106 : vector<16xf32>
      %get3A_108 = arith.index_cast %scan3A_48 : i32 to index
      %get3A_109 = arith.constant 80 : index
      %get3A_110 = tpu.vector_load %arg12[%get3A_108, %get3A_109] {strides = array<i32>} : memref<80x128xf32, #tpu.memory_space<vmem>>, vector<16xf32>,
      %mul3A_111 = arith.mulf %unpack3A_102, %get3A_110 : vector<16xf32>
      %add3A_112 = arith.addf %add3A_91, %mul3A_111 : vector<16xf32>
      %get3A_113 = arith.index_cast %scan3A_48 : i32 to index
      %get3A_114 = arith.constant 48 : index
      %get3A_115 = tpu.vector_load %arg10[%get3A_113, %get3A_114] {strides = array<i32>} : memref<80x64xi32, #tpu.memory_space<vmem>>, vector<16xi32>,
      %bitcast3A_116 = vector.bitcast %get3A_115 : vector<16xi32> to vector<32xbf16>
      %get3A_117 = arith.index_cast %scan3A_48 : i32 to index
      %get3A_118 = arith.constant 48 : index
      %get3A_119 = tpu.vector_load %arg11[%get3A_117, %get3A_118] {strides = array<i32>} : memref<80x64xi32, #tpu.memory_space<vmem>>, vector<16xi32>,
      %bitcast3A_120 = vector.bitcast %get3A_119 : vector<16xi32> to vector<32xbf16>
      %mul3A_121 = arith.mulf %bitcast3A_116, %bitcast3A_120 : vector<32xbf16>
      %unpack3A_122 = tpu.unpack_subelements %mul3A_121, 0 {pack_format = #tpu.pack_format<interleaved>} : vector<32xbf16> -> vector<16xf32>
      %unpack3A_123 = tpu.unpack_subelements %mul3A_121, 1 {pack_format = #tpu.pack_format<interleaved>} : vector<32xbf16> -> vector<16xf32>
      %get3A_124 = arith.index_cast %scan3A_48 : i32 to index
      %get3A_125 = arith.constant 96 : index
      %get3A_126 = tpu.vector_load %arg12[%get3A_124, %get3A_125] {strides = array<i32>} : memref<80x128xf32, #tpu.memory_space<vmem>>, vector<16xf32>,
      %mul3A_127 = arith.mulf %unpack3A_122, %get3A_126 : vector<16xf32>
      %add3A_128 = arith.addf %add3A_107, %mul3A_127 : vector<16xf32>
      %get3A_129 = arith.index_cast %scan3A_48 : i32 to index
      %get3A_130 = arith.constant 112 : index
      %get3A_131 = tpu.vector_load %arg12[%get3A_129, %get3A_130] {strides = array<i32>} : memref<80x128xf32, #tpu.memory_space<vmem>>, vector<16xf32>,
      %mul3A_132 = arith.mulf %unpack3A_123, %get3A_131 : vector<16xf32>
      %add3A_133 = arith.addf %add3A_112, %mul3A_132 : vector<16xf32>
      %add3A_134 = arith.addf %add3A_128, %add3A_133 : vector<16xf32>
      %broadcast_in_dim3A_135 = arith.constant true
      %broadcast_in_dim3A_136 = vector.broadcast %broadcast_in_dim3A_135 : i1 to vector<16xi1>
      %masked_cumsum3A = tpu.scan <sum>, %add3A_134 masked %broadcast_in_dim3A_136 : vector<16xf32>, vector<16xi1> -> vector<16xf32>
      %add3A_137 = arith.constant 9920 : i32
      %add3A_138 = arith.addi %add3A_137, %scan3A_48 : i32
      %broadcast_in_dim3A_139 = vector.broadcast %add3A_138 : i32 to vector<16xi32>
      tpu.vector_store_idx %arg9[%broadcast_in_dim3A_139], %masked_cumsum3A masked %eq3A_40 : memref<10000xf32, #tpu.memory_space<vmem>>[vector<16xi32>], vector<16xf32>, vector<16xi1>
      %scan3A_140 = arith.constant 0 : i32
      scf.yield %scan3A_140 : i32
    }
    %scan3A_47 = arith.constant 80 : i32
    "tpu.region"() ({
      %run_scoped3A = tpu.sem_alloc : memref<!tpu.dma_semaphore, #tpu.memory_space<semaphore_mem>>
      %dma_start3A_48 = tpu.memref_slice %arg6[%mul3A_2] : memref<320000xf32, #tpu.memory_space<hbm>> -> memref<10000xf32, #tpu.memory_space<hbm>>
      %dma_start3A_49 = tpu.memref_slice %arg6[%mul3A_2] : memref<320000xf32, #tpu.memory_space<hbm>> -> memref<10000xf32, #tpu.memory_space<hbm>>
      tpu.enqueue_dma source(%arg9 : memref<10000xf32, #tpu.memory_space<vmem>>) target(%dma_start3A_49 : memref<10000xf32, #tpu.memory_space<hbm>>) target_semaphore(%run_scoped3A : memref<!tpu.dma_semaphore, #tpu.memory_space<semaphore_mem>>)
      %dma_wait3A_50 = tpu.memref_slice %arg6[%mul3A_2] : memref<320000xf32, #tpu.memory_space<hbm>> -> memref<10000xf32, #tpu.memory_space<hbm>>
      %dma_wait3A_51 = tpu.memref_slice %arg6[%mul3A_2] : memref<320000xf32, #tpu.memory_space<hbm>> -> memref<10000xf32, #tpu.memory_space<hbm>>
      tpu.wait_dma2 semaphore(%run_scoped3A : memref<!tpu.dma_semaphore, #tpu.memory_space<semaphore_mem>>) src(%arg9 : memref<10000xf32, #tpu.memory_space<vmem>>) dst(%dma_wait3A_51 : memref<10000xf32, #tpu.memory_space<hbm>>)
      tpu.yield
    }) : () -> ()
    return
  }
}

</mosaic_0001>

<sc_bundles>
// kernel: _dist_mult.3.cloned.1.call-start
scs
__scs_entry_jumppad:
0x0: {  	(pc) =	sbr.rel $0x88, $3  }
0x1: {  	(tag) =	ssettag $0x0;
	lr =	simm.s32 $0x1  }
0x2: {  	[smem:$0x3F9D] =	sst lr;
	_ =	strace $0xD0000000  }
0x3: {  	_ = 	snop  }
0x4: {  	_ = 	snop  }
0x5: {  	_ = 	snop  }
0x6: {  	_ = 	snop  }
0x7: {  	_ = 	snop  }
__scs_overlays_trampoline_lowered:
0x8: {  	[smem:$0x3FAC] =	sst s0  }
0x9: {  	[smem:$0x3FAD] =	sst s1  }
0xa: {  	[smem:$0x3FAE] =	sst s2  }
0xb: {  	[smem:$0x3FAF] =	sst s3  }
0xc: {  	[smem:$0x3FB0] =	sst s4  }
0xd: {  	[smem:$0x3FB1] =	sst s5  }
0xe: {  	[smem:$0x3FB2] =	sst s6  }
0xf: {  	[smem:$0x3FB3] =	sst s7  }
0x10: {  	[smem:$0x3FB4] =	sst s8  }
0x11: {  	[smem:$0x3FB5] =	sst s9;
	s0 =	simm.s32 @!p0 $0x0  }
0x12: {  	s1 =	sld [smem:$0x3F9B];
	s0 =	simm.s32 @p0 $0x1  }
0x13: {  	[smem:$0x3FB6] =	sst s0;
	s0 =	simm.s32 @!p1 $0x0  }
0x14: {  	s2 =	sld [smem:$0x3F9A];
	s0 =	simm.s32 @p1 $0x1  }
0x15: {  	[smem:$0x3FB7] =	sst s0;
	s0 =	simm.s32 @!p2 $0x0  }
0x16: {  	s3 =	sld [smem:$0x3FDB];
	s0 =	simm.s32 @p2 $0x1  }
0x17: {  	s4 =	simm.s32 $0x1BF5;
	[smem:$0x3FB9] =	sst s0  }
0x18: {  	s0 =	sld [smem:$0x3F9C];
	_ =	swait.ge [sflag:s4], $0x0  }
0x19: {  	s7 =	sld [smem:$0x3F9D]  }
0x1a: {  	s8 =	sadd.s32 $0xFFFFE003, lr  }
0x1b: {  	s9 =	sadd.s32 $0xFFFFFEF7, lr;
	s5 =	simm.s32 $0xFFFFFFFF;
	p2 =	slt.u32 s8, $0xFFFFF086  }
0x1c: {  	p1 =	slt.u32 s9, $0xF7A;
	s5 =	simm.s32 @!p2 $0x0  }
0x1d: {  	s5 =	simm.s32 @p1 $0x1;
	p0 =	seq.s32 s7, s2  }
0x1e: {  	s7 =	smul.u32 @!p0 $0xF7A, s2;
	p2 =	seq.s32 @!p0 s5, $0x0  }
0x1f: {  	s9 =	smul.u32 $0xF7A, s1;
	s8 =	simm.s32 @!p0 $0x1BF5;
	p2 =	por !p2, p0  }
0x20: {  	[sflag:s8] =	ssyncset.s32 @!p0 $0xFFFFF086;
	s6 =	sadd.s32 @!p0 s3, s7;
	s7 =	simm.s32 @!p0 $0x108  }
0x21: {  	s3 =	sadd.s32 s3, s9;
	s6 =	sadd.s32 @!p0 $0x88, s6;
	s7 =	simm.s32 @p2 $0x1082  }
0x22: {  	[simem:s7], [sflag:s8] =	dma.local @!p0 [hbm:s6], $0xF7A  }
0x23: {  	s9 =	sor.u32 $0xD0000000, s2;
	s6 =	simm.s32 $0x108;
	_ =	swait.ge @!p0 [sflag:s8], $0x0  }
0x24: {  	s3 =	sadd.s32 $0x88, s3;
	s6 =	simm.s32 @!p1 $0x1082;
	[sflag:s4] =	ssyncset.s32 $0xFFFFF086  }
0x25: {  	[simem:s6], [sflag:s4] =	dma.local [hbm:s3], $0xF7A  }
0x26: {  	[smem:$0x3F9D] =	sst s1;
	(tag) =	ssettag s2;
	_ =	strace s9  }
0x27: {  	s1 =	sld [smem:$0x3FAD]  }
0x28: {  	s2 =	sld [smem:$0x3FAE]  }
0x29: {  	s4 =	sld [smem:$0x3FB0]  }
0x2a: {  	p0 =	seq.s32 s5, $0x0;
	s5 =	sld [smem:$0x3FB1]  }
0x2b: {  	s6 =	sld [smem:$0x3FB2]  }
0x2c: {  	s7 =	sld [smem:$0x3FB3]  }
0x2d: {  	s3 =	simm.s32 $0x108;
	s8 =	sld [smem:$0x3FB4]  }
0x2e: {  	s3 =	simm.s32 @!p0 $0x1082;
	s9 =	sld [smem:$0x3FB5]  }
0x2f: {  	lr =	sadd.s32 s0, s3;
	s0 =	sld [smem:$0x3FAC]  }
0x30: {  	s3 =	sld [smem:$0x3FAF]  }
0x31: {  	[smem:$0x3FB8] =	sst s10  }
0x32: {  	s10 =	sld [smem:$0x3FB6];
	_ =	sdelay $0x3  }
0x33: {  	p0 =	seq.s32 s10, $0x1;
	s10 =	sld [smem:$0x3FB8];
	_ =	sdelay $0x3  }
0x34: {  	[smem:$0x3FB8] =	sst s10  }
0x35: {  	s10 =	sld [smem:$0x3FB7];
	_ =	sdelay $0x3  }
0x36: {  	p1 =	seq.s32 s10, $0x1;
	s10 =	sld [smem:$0x3FB8];
	_ =	sdelay $0x3  }
0x37: {  	[smem:$0x3FB8] =	sst s10  }
0x38: {  	s10 =	sld [smem:$0x3FB9]  }
0x39: {  	_ = 	snop;
	(pc) =	sbr.ind lr, $3  }
0x3a: {  	_ = 	snop  }
0x3b: {  	_ = 	snop  }
0x3c: {  	p2 =	seq.s32 s10, $0x1;
	s10 =	sld [smem:$0x3FB8]  }
0x3d: {  	_ =	shalt  }
0x3e: {  	_ =	shalt  }
0x3f: {  	_ =	shalt  }
0x40: {  	_ =	shalt  }
0x41: {  	_ =	shalt  }
0x42: {  	_ =	shalt  }
0x43: {  	_ =	shalt  }
0x44: {  	_ =	shalt  }
0x45: {  	_ =	shalt  }
0x46: {  	_ =	shalt  }
0x47: {  	_ =	shalt  }
0x48: {  	_ =	shalt  }
0x49: {  	_ =	shalt  }
0x4a: {  	_ =	shalt  }
0x4b: {  	_ =	shalt  }
0x4c: {  	_ =	shalt  }
0x4d: {  	_ =	shalt  }
0x4e: {  	_ =	shalt  }
0x4f: {  	_ =	shalt  }
0x50: {  	_ =	shalt  }
0x51: {  	_ =	shalt  }
0x52: {  	_ =	shalt  }
0x53: {  	_ =	shalt  }
0x54: {  	_ =	shalt  }
0x55: {  	_ =	shalt  }
0x56: {  	_ =	shalt  }
0x57: {  	_ =	shalt  }
0x58: {  	_ =	shalt  }
0x59: {  	_ =	shalt  }
0x5a: {  	_ =	shalt  }
0x5b: {  	_ =	shalt  }
0x5c: {  	_ =	shalt  }
0x5d: {  	_ =	shalt  }
0x5e: {  	_ =	shalt  }
0x5f: {  	_ =	shalt  }
0x60: {  	_ =	shalt  }
0x61: {  	_ =	shalt  }
0x62: {  	_ =	shalt  }
0x63: {  	_ =	shalt  }
0x64: {  	_ =	shalt  }
0x65: {  	_ =	shalt  }
0x66: {  	_ =	shalt  }
0x67: {  	_ =	shalt  }
0x68: {  	_ =	shalt  }
0x69: {  	_ =	shalt  }
0x6a: {  	_ =	shalt  }
0x6b: {  	_ =	shalt  }
0x6c: {  	_ =	shalt  }
0x6d: {  	_ =	shalt  }
0x6e: {  	_ =	shalt  }
0x6f: {  	_ =	shalt  }
0x70: {  	_ =	shalt  }
0x71: {  	_ =	shalt  }
0x72: {  	_ =	shalt  }
0x73: {  	_ =	shalt  }
0x74: {  	_ =	shalt  }
0x75: {  	_ =	shalt  }
0x76: {  	_ =	shalt  }
0x77: {  	_ =	shalt  }
0x78: {  	_ =	shalt  }
0x79: {  	_ =	shalt  }
0x7a: {  	_ =	shalt  }
0x7b: {  	_ =	shalt  }
0x7c: {  	_ =	shalt  }
0x7d: {  	_ =	shalt  }
0x7e: {  	_ =	shalt  }
0x7f: {  	_ =	shalt  }
0x80: {  	_ =	shalt  }
0x81: {  	_ =	shalt  }
0x82: {  	_ =	shalt  }
0x83: {  	_ =	shalt  }
0x84: {  	_ =	shalt  }
0x85: {  	_ =	shalt  }
0x86: {  	_ =	shalt  }
0x87: {  	_ =	shalt  }
.Lfunc_end0:
.L_simem_size_0:
called_computation_lowered:
.L_overlay_start_0:
0x88: {  	s2 =	sld [smem:$0x3FD9]  }
0x89: {  	s3 =	sld [smem:$0x3FFE];
	_ =	sdelay $0x1  }
0x8a: {  	s1 =	srdreg.scid  }
0x8b: {  	s0 =	sand.u32 $0x1, s1  }
0x8c: {  	s17 =	sshll.u32 s0, $0xA;
	s2 =	sadd.s32 s3, s2  }
0x8d: {  	s2 =	sadd.s32 s2, s17  }
0x8e: {  	[smem:$0x3FC4] =	sst s2  }
0x8f: {  	_ = 	snop  }
0x90: {  	s2 =	sld [smem:$0x3FC9]  }
0x91: {  	s18 =	sld [smem:$0x3FC8]  }
0x92: {  	s4 =	sld [smem:$0x3FC6]  }
0x93: {  	s5 =	sld [smem:$0x3FD0];
	(tm) =	ssettm $0x1  }
0x94: {  	s6 =	sld [smem:$0x3FFB];
	_ =	sdelay $0x3  }
0x95: {  	_ =	strace s6  }
0x96: {  	s6 =	sld [smem:$0x3FFC];
	_ =	sdelay $0x3  }
0x97: {  	_ =	strace s6  }
0x98: {  	s6 =	sld [smem:$0x3FFD];
	_ =	sdelay $0x3  }
0x99: {  	_ =	strace s6  }
0x9a: {  	_ =	strace $0x8FFFFFFF  }
0x9b: {  	s19 =	sld [smem:$0x3FDB];
	_ =	sdelay $0x1  }
0x9c: {  	s7 =	simm.s32 $_scs_section_size  }
0x9d: {  	s8 =	simm.s32 $_size__tile_overlayer_lowered;
	s9 =	simm.s32 $_tile_overlayer_lowered  }
0x9e: {  	s22 =	simm.s32 $0x1BFF;
	s21 =	sshll.u32 s9, $0x1;
	s6 =	sadd.s32 s7, s19  }
0x9f: {  	s10 =	simm.s32 $0x0;
	s20 =	sshll.u32 s8, $0x1;
	s8 =	sadd.s32 s21, s6  }
0xa0: {  	[timem:s10], [sflag:s22] =	dma.local [hbm:s8], s20  }
0xa1: {  	_ =	swait.ge [sflag:s22], s20  }
0xa2: {  	s7 =	ssub.s32 $0x0, s20;
	[sflag:s22] =	ssyncset.done $0x0  }
0xa3: {  	[sflag:s22] =	ssyncadd.s32 s7;
	_ =	sdelay $0x1  }
0xa4: {  	s23 =	simm.s32 $0x1B8B  }
0xa5: {  	_ =	swait.ge [sflag:s23], $0x1  }
0xa6: {  	[sflag:s23] =	ssyncset.done $0x0  }
0xa7: {  	s25 =	simm.s32 $0x1B8E;
	s24 =	sld [smem:$0x3FFE];
	[sflag:s23] =	ssyncadd.s32 $0xFFFFFFFF  }
0xa8: {  	s26 =	simm.s32 $execute0_lowered;
	[smem:$0x3FD2] =	sst s25  }
0xa9: {  	s8 =	sshll.u32 s26, $0x1;
	_ =	strace $0x80000046;
	[dreg:$0x1] =	wrdreg $0xFFFFFFFF  }
0xaa: {  	s28 =	simm.s32 $_size_execute0_lowered;
	s6 =	sadd.s32 s6, s8;
	[dreg:$0x0] =	wrdreg $0x0  }
0xab: {  	s8 =	sshll.u32 s28, $0x1;
	[dreg:$0x2] =	wrdreg s6  }
0xac: {  	[dreg:$0x3] =	wrdreg s8  }
0xad: {  	[dreg:$0x4] =	wrdreg $0xC0  }
0xae: {  	_ =	task [dreg:s10], $0x5FFFF  }
0xaf: {  	[dreg:$0x1] =	wrdreg $0xFFFFFFFF  }
0xb0: {  	[dreg:$0x0] =	wrdreg $0x60  }
0xb1: {  	[dreg:$0x2] =	wrdreg s2  }
0xb2: {  	[dreg:$0x3] =	wrdreg s18  }
0xb3: {  	[dreg:$0x4] =	wrdreg s24  }
0xb4: {  	[dreg:$0x5] =	wrdreg s4  }
0xb5: {  	[dreg:$0x6] =	wrdreg s5  }
0xb6: {  	[dreg:$0x7] =	wrdreg $0x9  }
0xb7: {  	_ =	task.clear_ibuf [dreg:s10], $0x8FFFF;
	_ =	strace $0x90000046  }
0xb8: {  	s29 =	simm.s32 $0x9;
	_ =	strace $0x80000048  }
0xb9: {  	_ =	swait.ge [sflag:s29], $0x1  }
0xba: {  	[sflag:s29] =	ssyncadd.s32 $0xFFFFFFFF  }
0xbb: {  	_ =	strace $0x90000048  }
0xbc: {  	_ =	sfence  }
0xbd: {  	s30 =	sld [smem:$0x0];
	_ =	sdelay $0x2  }
0xbe: {  	s31 =	sshll.u32 s1, $0xD;
	s1 =	sshrl.u32 s1, $0x2  }
0xbf: {  	s3 =	sand.u32 $0x4000, s31;
	s1 =	sadd.s32 s1, s30  }
0xc0: {  	s0 =	sor.u32 s3, s0;
	s1 =	sshll.u32 s1, $0x11  }
0xc1: {  	s0 =	sor.u32 s1, s0  }
0xc2: {  	s0 =	sadd.s32 $0x8F2B, s0  }
0xc3: {  	[sflag:s0] =	ssyncadd.remote.s32 $0x1  }
0xc4: {  	_ =	sfence.sel $0xFFFF  }
0xc5: {  	[dreg:$0x0] =	wrdreg $0xFFFFFFFF;
	(pc) =	sbr.abs _section_cstart, $3  }
0xc6: {  	[dreg:$0x1] =	wrdreg $0xFFFFFFFF  }
0xc7: {  	_ =	task.clear_ibuf [dreg:s10], $0x2FFFF;
	_ =	strace $0x9FFFFFFF  }
0xc8: {  	(tm) =	ssettm $0x7FFFFFFF  }
0xc9: {  	_ =	shalt  }
tec
execute0_lowered:
.L_overlay_start_1:
0x0: {  	(tag) =	ssettag $0x1  }
0x1: {  	s0 =	rddreg [dreg:$0x0]  }
0x2: {  	s1 =	rddreg [dreg:$0x1]  }
0x3: {  	s5 =	rddreg [dreg:$0x2]  }
0x4: {  	s3 =	srdreg.scid;
	s2 =	rddreg [dreg:$0x3]  }
0x5: {  	s7 =	rddreg [dreg:$0x4];
	s8 =	stileid.u32  }
0x6: {  	s11 =	simm.s32 $0x7;
	s13 =	simm.s32 $0x7530;
	s14 =	simm.s32 $0x8930  }
0x7: {  	s15 =	simm.s32 $0x9D30;
	s16 =	simm.s32 $0x50;
	s17 =	simm.s32 $0xC530  }
0x8: {  	s18 =	simm.s32 $0xD930;
	s19 =	simm.s32 $0xED30;
	s20 =	simm.s32 $0x1  }
0x9: {  	s21 =	simm.s32 $0x2;
	s22 =	simm.s32 $0x3;
	s6 =	sand.u32 $0x1, s3  }
0xa: {  	s23 =	simm.s32 $0x4E20;
	s24 =	simm.s32 $0x4;
	s4 =	sshll.u32 s6, $0x4  }
0xb: {  	s25 =	simm.s32 $0x5;
	s26 =	simm.s32 $0x6;
	s8 =	sor.u32 s8, s4  }
0xc: {  	s28 =	simm.s32 $0x0;
	s3 =	simm.s32 $0x0;
	s4 =	smul.u32 $0x2710, s8  }
0xd: {  	s5 =	sadd.s32 $0x400, s5;
	[smem:$0x7FF] =	sst s3;
	s6 =	ssub.s32 $0x2, s6  }
0xe: {  	s9 =	sshrl.u32 s6, $0x1;
	s8 =	smul.u32 $0x27100, s8;
	s10 =	sshrl.u32 s4, $0x3  }
0xf: {  	_ =	strace $0x80000047;
	s6 =	ssub.s32 s6, s9;
	s0 =	sadd.s32 s0, s10  }
0x10: {  	s8 =	sadd.s32 s2, s8;
	s31 =	sadd.s32 s1, s10;
	[dreg:$0x6] =	wrdreg s0  }
0x11: {  	vm0 =	vcmask $0x3F3C;
	s9 =	sadd.s32 s7, s10;
	s10 =	smax.u32 s6, $0x1;
	[dreg:$0x7] =	wrdreg s31  }
.LBB2_1:
0x12: {  	s0 =	rddreg [dreg:$0x6]  }
0x13: {  	[tilespmem:s3], [sflag:$0x7] =	stream.linear.gather [hbm4b:s0+s3], $0x2710, $0x38;
	[tilespmem:$0x11530] =	vst v63  }
0x14: {  	_ =	swait.ge [sflag:s11], $0x2710  }
0x15: {  	[sflag:s11] =	ssyncset.done $0x0  }
0x16: {  	s1 =	simm.s32 $0x2710;
	s30 =	rddreg [dreg:$0x7];
	[sflag:s11] =	ssyncadd.s32 $0xFFFFD8F0  }
0x17: {  	[tilespmem:s1], [sflag:$0x7] =	stream.linear.gather [hbm4b:s30+s3], $0x2710, $0x38;
	[tilespmem:$0x11530] =	vst v63  }
0x18: {  	_ =	swait.ge [sflag:s11], $0x2710  }
0x19: {  	[sflag:s11] =	ssyncset.done $0x0  }
0x1a: {  	[sflag:s11] =	ssyncadd.s32 $0xFFFFD8F0  }
0x1b: {  	[tilespmem:s13], [sflag:$0x1] =	stream.indirect.gather [hbm4b:s5+s16], $0x40, s3, s16, $0xb8;
	[tilespmem:$0x11530] =	vst v63  }
0x1c: {  	_ = 	snop  }
0x1d: {  	[tilespmem:s14], [sflag:$0x2] =	stream.indirect.gather [hbm4b:s5+s16], $0x40, s1, s16, $0xb8;
	[tilespmem:$0x11530] =	vst v63  }
0x1e: {  	s29 =	simm.s32 $0x50;
	s31 =	simm.s32 $0x0;
	s1 =	simm.s32 $0x0  }
0x1f: {  	[tilespmem:s15], [sflag:$0x3] =	stream.linear.gather [hbm4b:s8+s3], $0x2800, $0x38;
	[tilespmem:$0x11530] =	vst v63  }
.LBB2_2:
0x20: {  	s0 =	smul.u32 $0xA0, s31;
	_ =	sdelay $0x1  }
0x21: {  	s6 =	sadd.s32 $0x50, s0  }
0x22: {  	[tilespmem:s17], [sflag:$0x4] =	stream.indirect.gather [hbm4b:s5+s16], $0x40, s6, s16, $0xb8;
	[tilespmem:$0x11530] =	vst v63  }
0x23: {  	s6 =	sadd.s32 s4, s6  }
0x24: {  	s7 =	sadd.s32 $0x2760, s0;
	s6 =	sshll.u32 s6, $0x4  }
0x25: {  	[tilespmem:s18], [sflag:$0x5] =	stream.indirect.gather [hbm4b:s5+s16], $0x40, s7, s16, $0xb8;
	[tilespmem:$0x11530] =	vst v63  }
0x26: {  	s6 =	sand.u32 $0x1FFFFF00, s6  }
0x27: {  	s12 =	simm.s32 $0x0;
	s6 =	sadd.s32 s2, s6  }
0x28: {  	[tilespmem:s19], [sflag:$0x6] =	stream.linear.gather [hbm4b:s6+s12], $0x2800, $0x38;
	[tilespmem:$0x11530] =	vst v63  }
0x29: {  	_ =	swait.ge [sflag:s20], $0x1400  }
0x2a: {  	[sflag:s20] =	ssyncset.done $0x0  }
0x2b: {  	[sflag:s20] =	ssyncadd.s32 $0xFFFFEC00  }
0x2c: {  	_ =	swait.ge [sflag:s21], $0x1400  }
0x2d: {  	[sflag:s21] =	ssyncset.done $0x0  }
0x2e: {  	[sflag:s21] =	ssyncadd.s32 $0xFFFFEC00  }
0x2f: {  	_ =	swait.ge [sflag:s22], $0x2800  }
0x30: {  	[sflag:s22] =	ssyncset.done $0x0  }
0x31: {  	s6 =	simm.s32 $0x9D70;
	[sflag:s22] =	ssyncadd.s32 $0xFFFFD800  }
0x32: {  	s12 =	simm.s32 $0x0;
	v0 =	vld [tilespmem:s6+$0xFFFFFFC0]  }
0x33: {  	v1 =	vld [tilespmem:s12+$0x8960]  }
0x34: {  	v2 =	vld [tilespmem:s12+$0x7560]  }
0x35: {  	v3 =	vld [tilespmem:s12+$0x8950]  }
0x36: {  	v4 =	vld [tilespmem:s12+$0x8940]  }
0x37: {  	v5 =	vld [tilespmem:s12+$0x8930]  }
0x38: {  	v6 =	vld [tilespmem:s12+$0x7530]  }
0x39: {  	v8 =	vld [tilespmem:s12+$0x7550]  }
0x3a: {  	v7 =	vld [tilespmem:s12+$0x7540]  }
0x3b: {  	v9 =	vld [tilespmem:s6+$0xFFFFFFD0]  }
0x3c: {  	v10 =	vld [tilespmem:s6+$0xFFFFFFE0]  }
0x3d: {  	v61 =	vld [tilespmem:s6+$0x10]  }
0x3e: {  	v5 =	vmul.bf16 v5, v6;
	v6 =	vld [tilespmem:s6+$0xFFFFFFF0];
	v3 =	vmul.bf16 v3, v8  }
0x3f: {  	v4 =	vmul.bf16 v4, v7;
	v7 =	vld [tilespmem:s6+$0x0];
	v1 =	vmul.bf16 v1, v2  }
0x40: {  	v2 =	vunpack.i.u.bf16.f32 v5;
	v5 =	vunpack.i.l.bf16.f32 v5;
	v63 =	vunpack.i.l.bf16.f32 v3  }
0x41: {  	v11 =	vld [tilespmem:s6+$0x30];
	v0 =	vmul.f32 v0, v5;
	v2 =	vmul.f32 v9, v2;
	v5 =	vunpack.i.l.bf16.f32 v4  }
0x42: {  	v62 =	vld [tilespmem:s6+$0x20];
	v3 =	vunpack.i.u.bf16.f32 v3;
	v4 =	vunpack.i.u.bf16.f32 v4;
	v5 =	vmul.f32 v10, v5  }
0x43: {  	v0 =	vadd.f32 $0.0e+00, v0;
	v2 =	vadd.f32 $0.0e+00, v2;
	v4 =	vmul.f32 v6, v4  }
0x44: {  	v3 =	vmul.f32 v61, v3;
	v6 =	vmul.f32 v7, v63;
	v7 =	vunpack.i.l.bf16.f32 v1  }
0x45: {  	v1 =	vunpack.i.u.bf16.f32 v1;
	v0 =	vadd.f32 v5, v0;
	v2 =	vadd.f32 v4, v2  }
0x46: {  	v1 =	vmul.f32 v11, v1  }
0x47: {  	v4 =	vmul.f32 v62, v7;
	v0 =	vadd.f32 v6, v0;
	v2 =	vadd.f32 v3, v2;
	_ =	sdelay $0x1  }
0x48: {  	v0 =	vadd.f32 v4, v0;
	v1 =	vadd.f32 v1, v2;
	_ =	sdelay $0x1  }
0x49: {  	v0 =	vadd.f32 v1, v0;
	_ =	sdelay $0x1  }
0x4a: {  	(xrf2) =	vadd.scan.msk.f32 $0xffff, v0;
	_ =	sdelay $0x5  }
0x4b: {  	v0 =	vmov s1;
	_ =	sdelay $0x3  }
0x4c: {  	v1, _, _ =	vpop (xrf2)  }
0x4d: {  	s12 =	simm.s32 $0x9DF0;
	[tilespmem:v0+s23+$0x0] =	vst.idx.msk vm0, v1  }
0x4e: {  	s7 =	simm.s32 $0x40;
	v0 =	vld [tilespmem:s12+$0xFFFFFFC0]  }
0x4f: {  	v2 =	vld [tilespmem:s7+$0x8960]  }
0x50: {  	v3 =	vld [tilespmem:s7+$0x7560]  }
0x51: {  	v1 =	vld [tilespmem:s7+$0x8950]  }
0x52: {  	v4 =	vld [tilespmem:s7+$0x8940]  }
0x53: {  	s30 =	smov.u32 s1;
	s6 =	simm.s32 $0x200;
	v5 =	vld [tilespmem:s7+$0x8930]  }
.LBB2_3:
0x54: {  	p0 =	sne.s32 s6, $0x4F00;
	v6 =	vld [tilespmem:s7+$0x7530]  }
0x55: {  	v7 =	vld [tilespmem:s7+$0x7540]  }
0x56: {  	v8 =	vld [tilespmem:s7+$0x7550]  }
0x57: {  	v9 =	vld [tilespmem:s12+$0xFFFFFFD0]  }
0x58: {  	v10 =	vld [tilespmem:s12+$0xFFFFFFE0]  }
0x59: {  	v5 =	vmul.bf16 v5, v6;
	v6 =	vld [tilespmem:s12+$0xFFFFFFF0]  }
0x5a: {  	v2 =	vmul.bf16 v2, v3;
	v4 =	vmul.bf16 v4, v7;
	v7 =	vld [tilespmem:s12+$0x0]  }
0x5b: {  	v3 =	vunpack.i.u.bf16.f32 v5;
	v5 =	vunpack.i.l.bf16.f32 v5;
	v1 =	vmul.bf16 v1, v8;
	v8 =	vld [tilespmem:s12+$0x10]  }
0x5c: {  	v0 =	vmul.f32 v0, v5;
	v3 =	vmul.f32 v9, v3;
	v5 =	vunpack.i.l.bf16.f32 v4;
	v9 =	vld [tilespmem:s12+$0x20]  }
0x5d: {  	v4 =	vunpack.i.u.bf16.f32 v4;
	v5 =	vmul.f32 v10, v5;
	v10 =	vunpack.i.l.bf16.f32 v1;
	v11 =	vld [tilespmem:s12+$0x30]  }
0x5e: {  	v0 =	vadd.f32 $0.0e+00, v0;
	v3 =	vadd.f32 $0.0e+00, v3;
	v4 =	vmul.f32 v6, v4  }
0x5f: {  	v1 =	vunpack.i.u.bf16.f32 v1;
	v6 =	vmul.f32 v7, v10;
	v7 =	vunpack.i.l.bf16.f32 v2  }
0x60: {  	v0 =	vadd.f32 v5, v0;
	v3 =	vadd.f32 v4, v3;
	v1 =	vmul.f32 v8, v1  }
0x61: {  	v2 =	vunpack.i.u.bf16.f32 v2;
	v4 =	vmul.f32 v9, v7  }
0x62: {  	v0 =	vadd.f32 v6, v0;
	v1 =	vadd.f32 v1, v3;
	v2 =	vmul.f32 v11, v2;
	_ =	sdelay $0x1  }
0x63: {  	v0 =	vadd.f32 v4, v0;
	v1 =	vadd.f32 v2, v1;
	_ =	sdelay $0x1  }
0x64: {  	v0 =	vadd.f32 v1, v0;
	_ =	sdelay $0x1  }
0x65: {  	(xrf2) =	vadd.scan.msk.f32 $0xffff, v0;
	_ =	sdelay $0x4  }
0x66: {  	s30 =	sadd.s32 $0x1, s30  }
0x67: {  	v0 =	vmov s30;
	_ =	sdelay $0x3  }
0x68: {  	v1, _, _ =	vpop (xrf2)  }
0x69: {  	s12 =	sadd.s32 $0x80, s12;
	[tilespmem:v0+s23+$0x0] =	vst.idx.msk vm0, v1  }
0x6a: {  	s7 =	sshra.s32 s6, $0x2;
	v0 =	vld [tilespmem:s12+$0xFFFFFFC0]  }
.Ltmp0:
0x6b: {  	v2 =	vld [tilespmem:s7+$0x8960];
	(pc) =	sbr.rel @p0 .LBB2_3-.Ltmp0, $4  }
0x6c: {  	v3 =	vld [tilespmem:s7+$0x7560]  }
0x6d: {  	v1 =	vld [tilespmem:s7+$0x8950]  }
0x6e: {  	v4 =	vld [tilespmem:s7+$0x8940]  }
0x6f: {  	s6 =	sadd.s32 $0x100, s6;
	v5 =	vld [tilespmem:s7+$0x8930]  }
0x70: {  	v6 =	vld [tilespmem:s7+$0x7530]  }
0x71: {  	v8 =	vld [tilespmem:s7+$0x7550]  }
0x72: {  	v7 =	vld [tilespmem:s7+$0x7540]  }
0x73: {  	v9 =	vld [tilespmem:s12+$0xFFFFFFD0]  }
0x74: {  	v10 =	vld [tilespmem:s12+$0xFFFFFFE0]  }
0x75: {  	v54 =	vld [tilespmem:s12+$0x10]  }
0x76: {  	v5 =	vmul.bf16 v5, v6;
	v6 =	vld [tilespmem:s12+$0xFFFFFFF0];
	v1 =	vmul.bf16 v1, v8  }
0x77: {  	v2 =	vmul.bf16 v2, v3;
	v4 =	vmul.bf16 v4, v7;
	v7 =	vld [tilespmem:s12+$0x0]  }
0x78: {  	v3 =	vunpack.i.u.bf16.f32 v5;
	v5 =	vunpack.i.l.bf16.f32 v5;
	v56 =	vunpack.i.l.bf16.f32 v1  }
0x79: {  	v11 =	vld [tilespmem:s12+$0x30];
	v0 =	vmul.f32 v0, v5;
	v3 =	vmul.f32 v9, v3;
	v5 =	vunpack.i.l.bf16.f32 v4  }
0x7a: {  	v55 =	vld [tilespmem:s12+$0x20];
	v1 =	vunpack.i.u.bf16.f32 v1;
	v4 =	vunpack.i.u.bf16.f32 v4;
	v5 =	vmul.f32 v10, v5  }
0x7b: {  	v0 =	vadd.f32 $0.0e+00, v0;
	v3 =	vadd.f32 $0.0e+00, v3;
	v4 =	vmul.f32 v6, v4  }
0x7c: {  	v1 =	vmul.f32 v54, v1;
	v6 =	vmul.f32 v7, v56;
	v7 =	vunpack.i.l.bf16.f32 v2  }
0x7d: {  	v2 =	vunpack.i.u.bf16.f32 v2;
	v0 =	vadd.f32 v5, v0;
	v3 =	vadd.f32 v4, v3  }
0x7e: {  	v2 =	vmul.f32 v11, v2  }
0x7f: {  	v4 =	vmul.f32 v55, v7;
	v0 =	vadd.f32 v6, v0;
	v1 =	vadd.f32 v1, v3;
	_ =	sdelay $0x1  }
0x80: {  	v0 =	vadd.f32 v4, v0;
	v1 =	vadd.f32 v2, v1;
	_ =	sdelay $0x1  }
0x81: {  	v0 =	vadd.f32 v1, v0;
	_ =	sdelay $0x1  }
0x82: {  	(xrf2) =	vadd.scan.msk.f32 $0xffff, v0;
	_ =	sdelay $0x4  }
0x83: {  	s6 =	sadd.s32 $0x1, s30  }
0x84: {  	v0 =	vmov s6;
	_ =	sdelay $0x2  }
0x85: {  	s12 =	sadd.s32 $0xA0, s0  }
0x86: {  	s6 =	sadd.s32 s4, s12;
	v1, _, _ =	vpop (xrf2)  }
0x87: {  	s30 =	sadd.s32 $0x27B0, s0;
	s0 =	sshll.u32 s6, $0x4;
	[tilespmem:v0+s23+$0x0] =	vst.idx.msk vm0, v1  }
0x88: {  	[tilespmem:s13], [sflag:$0x1] =	stream.indirect.gather [hbm4b:s5+s16], $0x40, s12, s16, $0xb8;
	[tilespmem:$0x11530] =	vst v63  }
0x89: {  	s0 =	sand.u32 $0x1FFFFF00, s0  }
0x8a: {  	[tilespmem:s14], [sflag:$0x2] =	stream.indirect.gather [hbm4b:s5+s16], $0x40, s30, s16, $0xb8;
	[tilespmem:$0x11530] =	vst v63  }
0x8b: {  	s7 =	simm.s32 $0x0;
	s0 =	sadd.s32 s2, s0  }
0x8c: {  	[tilespmem:s15], [sflag:$0x3] =	stream.linear.gather [hbm4b:s0+s7], $0x2800, $0x38;
	[tilespmem:$0x11530] =	vst v63  }
0x8d: {  	_ =	swait.ge [sflag:s24], $0x1400  }
0x8e: {  	[sflag:s24] =	ssyncset.done $0x0  }
0x8f: {  	[sflag:s24] =	ssyncadd.s32 $0xFFFFEC00  }
0x90: {  	_ =	swait.ge [sflag:s25], $0x1400  }
0x91: {  	[sflag:s25] =	ssyncset.done $0x0  }
0x92: {  	[sflag:s25] =	ssyncadd.s32 $0xFFFFEC00  }
0x93: {  	_ =	swait.ge [sflag:s26], $0x2800  }
0x94: {  	[sflag:s26] =	ssyncset.done $0x0  }
0x95: {  	s12 =	simm.s32 $0xED70;
	[sflag:s26] =	ssyncadd.s32 $0xFFFFD800  }
0x96: {  	s30 =	simm.s32 $0x0;
	v0 =	vld [tilespmem:s12+$0xFFFFFFC0]  }
0x97: {  	v1 =	vld [tilespmem:s30+$0xD960]  }
0x98: {  	v2 =	vld [tilespmem:s30+$0xC560]  }
0x99: {  	v3 =	vld [tilespmem:s30+$0xD950]  }
0x9a: {  	v4 =	vld [tilespmem:s30+$0xD940]  }
0x9b: {  	v5 =	vld [tilespmem:s30+$0xD930]  }
0x9c: {  	v6 =	vld [tilespmem:s30+$0xC530]  }
0x9d: {  	v57 =	vld [tilespmem:s30+$0xC550]  }
0x9e: {  	v7 =	vld [tilespmem:s30+$0xC540]  }
0x9f: {  	v58 =	vld [tilespmem:s12+$0xFFFFFFD0]  }
0xa0: {  	v59 =	vld [tilespmem:s12+$0xFFFFFFE0]  }
0xa1: {  	v60 =	vld [tilespmem:s12+$0x10]  }
0xa2: {  	v5 =	vmul.bf16 v5, v6;
	v6 =	vld [tilespmem:s12+$0xFFFFFFF0];
	v3 =	vmul.bf16 v3, v57  }
0xa3: {  	v4 =	vmul.bf16 v4, v7;
	v7 =	vld [tilespmem:s12+$0x0];
	v1 =	vmul.bf16 v1, v2  }
0xa4: {  	v2 =	vunpack.i.u.bf16.f32 v5;
	v5 =	vunpack.i.l.bf16.f32 v5;
	v62 =	vunpack.i.l.bf16.f32 v3  }
0xa5: {  	v63 =	vld [tilespmem:s12+$0x30];
	v0 =	vmul.f32 v0, v5;
	v2 =	vmul.f32 v58, v2;
	v5 =	vunpack.i.l.bf16.f32 v4  }
0xa6: {  	v61 =	vld [tilespmem:s12+$0x20];
	v3 =	vunpack.i.u.bf16.f32 v3;
	v4 =	vunpack.i.u.bf16.f32 v4;
	v5 =	vmul.f32 v59, v5  }
0xa7: {  	v0 =	vadd.f32 $0.0e+00, v0;
	v2 =	vadd.f32 $0.0e+00, v2;
	v4 =	vmul.f32 v6, v4  }
0xa8: {  	v3 =	vmul.f32 v60, v3;
	v6 =	vmul.f32 v7, v62;
	v7 =	vunpack.i.l.bf16.f32 v1  }
0xa9: {  	v1 =	vunpack.i.u.bf16.f32 v1;
	v0 =	vadd.f32 v5, v0;
	v2 =	vadd.f32 v4, v2  }
0xaa: {  	v1 =	vmul.f32 v63, v1  }
0xab: {  	v4 =	vmul.f32 v61, v7;
	v0 =	vadd.f32 v6, v0;
	v2 =	vadd.f32 v3, v2;
	_ =	sdelay $0x1  }
0xac: {  	v0 =	vadd.f32 v4, v0;
	v1 =	vadd.f32 v1, v2;
	_ =	sdelay $0x1  }
0xad: {  	v0 =	vadd.f32 v1, v0;
	_ =	sdelay $0x1  }
0xae: {  	(xrf2) =	vadd.scan.msk.f32 $0xffff, v0;
	_ =	sdelay $0x5  }
0xaf: {  	v0 =	vmov s29;
	_ =	sdelay $0x3  }
0xb0: {  	v1, _, _ =	vpop (xrf2)  }
0xb1: {  	s12 =	simm.s32 $0xEDF0;
	[tilespmem:v0+s23+$0x0] =	vst.idx.msk vm0, v1  }
0xb2: {  	s7 =	simm.s32 $0x40;
	v0 =	vld [tilespmem:s12+$0xFFFFFFC0]  }
0xb3: {  	v2 =	vld [tilespmem:s7+$0xD960]  }
0xb4: {  	v3 =	vld [tilespmem:s7+$0xC560]  }
0xb5: {  	v1 =	vld [tilespmem:s7+$0xD950]  }
0xb6: {  	v4 =	vld [tilespmem:s7+$0xD940]  }
0xb7: {  	s6 =	simm.s32 $0x200;
	s0 =	smov.u32 s29;
	v5 =	vld [tilespmem:s7+$0xD930]  }
.LBB2_5:
0xb8: {  	p0 =	sne.s32 s6, $0x4F00;
	v6 =	vld [tilespmem:s7+$0xC530]  }
0xb9: {  	v7 =	vld [tilespmem:s7+$0xC540]  }
0xba: {  	v8 =	vld [tilespmem:s7+$0xC550]  }
0xbb: {  	v9 =	vld [tilespmem:s12+$0xFFFFFFD0]  }
0xbc: {  	v10 =	vld [tilespmem:s12+$0xFFFFFFE0]  }
0xbd: {  	v5 =	vmul.bf16 v5, v6;
	v6 =	vld [tilespmem:s12+$0xFFFFFFF0]  }
0xbe: {  	v2 =	vmul.bf16 v2, v3;
	v4 =	vmul.bf16 v4, v7;
	v7 =	vld [tilespmem:s12+$0x0]  }
0xbf: {  	v3 =	vunpack.i.u.bf16.f32 v5;
	v5 =	vunpack.i.l.bf16.f32 v5;
	v1 =	vmul.bf16 v1, v8;
	v8 =	vld [tilespmem:s12+$0x10]  }
0xc0: {  	v0 =	vmul.f32 v0, v5;
	v3 =	vmul.f32 v9, v3;
	v5 =	vunpack.i.l.bf16.f32 v4;
	v9 =	vld [tilespmem:s12+$0x20]  }
0xc1: {  	v4 =	vunpack.i.u.bf16.f32 v4;
	v5 =	vmul.f32 v10, v5;
	v10 =	vunpack.i.l.bf16.f32 v1;
	v11 =	vld [tilespmem:s12+$0x30]  }
0xc2: {  	v0 =	vadd.f32 $0.0e+00, v0;
	v3 =	vadd.f32 $0.0e+00, v3;
	v4 =	vmul.f32 v6, v4  }
0xc3: {  	v1 =	vunpack.i.u.bf16.f32 v1;
	v6 =	vmul.f32 v7, v10;
	v7 =	vunpack.i.l.bf16.f32 v2  }
0xc4: {  	v0 =	vadd.f32 v5, v0;
	v3 =	vadd.f32 v4, v3;
	v1 =	vmul.f32 v8, v1  }
0xc5: {  	v2 =	vunpack.i.u.bf16.f32 v2;
	v4 =	vmul.f32 v9, v7  }
0xc6: {  	v0 =	vadd.f32 v6, v0;
	v1 =	vadd.f32 v1, v3;
	v2 =	vmul.f32 v11, v2;
	_ =	sdelay $0x1  }
0xc7: {  	v0 =	vadd.f32 v4, v0;
	v1 =	vadd.f32 v2, v1;
	_ =	sdelay $0x1  }
0xc8: {  	v0 =	vadd.f32 v1, v0;
	_ =	sdelay $0x1  }
0xc9: {  	(xrf2) =	vadd.scan.msk.f32 $0xffff, v0;
	_ =	sdelay $0x4  }
0xca: {  	s0 =	sadd.s32 $0x1, s0  }
0xcb: {  	v0 =	vmov s0;
	_ =	sdelay $0x3  }
0xcc: {  	v1, _, _ =	vpop (xrf2)  }
0xcd: {  	s12 =	sadd.s32 $0x80, s12;
	[tilespmem:v0+s23+$0x0] =	vst.idx.msk vm0, v1  }
0xce: {  	s7 =	sshra.s32 s6, $0x2;
	v0 =	vld [tilespmem:s12+$0xFFFFFFC0]  }
.Ltmp1:
0xcf: {  	v2 =	vld [tilespmem:s7+$0xD960];
	(pc) =	sbr.rel @p0 .LBB2_5-.Ltmp1, $4  }
0xd0: {  	v3 =	vld [tilespmem:s7+$0xC560]  }
0xd1: {  	v1 =	vld [tilespmem:s7+$0xD950]  }
0xd2: {  	v4 =	vld [tilespmem:s7+$0xD940]  }
0xd3: {  	s6 =	sadd.s32 $0x100, s6;
	v5 =	vld [tilespmem:s7+$0xD930]  }
0xd4: {  	v6 =	vld [tilespmem:s7+$0xC530]  }
0xd5: {  	v7 =	vld [tilespmem:s7+$0xC540]  }
0xd6: {  	v8 =	vld [tilespmem:s7+$0xC550]  }
0xd7: {  	v9 =	vld [tilespmem:s12+$0xFFFFFFD0]  }
0xd8: {  	v10 =	vld [tilespmem:s12+$0xFFFFFFE0]  }
0xd9: {  	v52 =	vld [tilespmem:s12+$0xFFFFFFF0];
	v5 =	vmul.bf16 v5, v6  }
0xda: {  	v53 =	vld [tilespmem:s12+$0x0];
	v2 =	vmul.bf16 v2, v3;
	v4 =	vmul.bf16 v4, v7  }
0xdb: {  	v55 =	vld [tilespmem:s12+$0x10];
	v1 =	vmul.bf16 v1, v8;
	v54 =	vunpack.i.u.bf16.f32 v5;
	v5 =	vunpack.i.l.bf16.f32 v5  }
0xdc: {  	v57 =	vld [tilespmem:s12+$0x20];
	v56 =	vunpack.i.l.bf16.f32 v4;
	v0 =	vmul.f32 v0, v5;
	v3 =	vmul.f32 v9, v54  }
0xdd: {  	v11 =	vld [tilespmem:s12+$0x30];
	v4 =	vunpack.i.u.bf16.f32 v4;
	v58 =	vunpack.i.l.bf16.f32 v1;
	v5 =	vmul.f32 v10, v56  }
0xde: {  	v4 =	vmul.f32 v52, v4;
	v0 =	vadd.f32 $0.0e+00, v0;
	v3 =	vadd.f32 $0.0e+00, v3  }
0xdf: {  	v60 =	vunpack.i.l.bf16.f32 v2;
	v1 =	vunpack.i.u.bf16.f32 v1;
	v59 =	vmul.f32 v53, v58  }
0xe0: {  	v1 =	vmul.f32 v55, v1;
	v0 =	vadd.f32 v5, v0;
	v3 =	vadd.f32 v4, v3  }
0xe1: {  	v2 =	vunpack.i.u.bf16.f32 v2;
	v61 =	vmul.f32 v57, v60  }
0xe2: {  	v2 =	vmul.f32 v11, v2;
	v0 =	vadd.f32 v59, v0;
	v1 =	vadd.f32 v1, v3;
	_ =	sdelay $0x1  }
0xe3: {  	v0 =	vadd.f32 v61, v0;
	v1 =	vadd.f32 v2, v1;
	_ =	sdelay $0x1  }
0xe4: {  	v0 =	vadd.f32 v1, v0;
	_ =	sdelay $0x1  }
0xe5: {  	(xrf2) =	vadd.scan.msk.f32 $0xffff, v0;
	_ =	sdelay $0x4  }
0xe6: {  	s0 =	sadd.s32 $0x1, s0;
	s31 =	sadd.s32 $0x1, s31  }
0xe7: {  	v62 =	vmov s0;
	p0 =	sne.s32 s31, $0x3E  }
.Ltmp2:
0xe8: {  	_ = 	snop;
	(pc) =	sbr.rel @p0 .LBB2_2-.Ltmp2, $3  }
0xe9: {  	_ =	sdelay $0x1  }
0xea: {  	v63, _, _ =	vpop (xrf2)  }
0xeb: {  	s1 =	sadd.s32 $0xA0, s1;
	s29 =	sadd.s32 $0xA0, s29;
	[tilespmem:v62+s23+$0x0] =	vst.idx.msk vm0, v63  }
0xec: {  	_ =	swait.ge [sflag:s20], $0x1400  }
0xed: {  	[sflag:s20] =	ssyncset.done $0x0  }
0xee: {  	[sflag:s20] =	ssyncadd.s32 $0xFFFFEC00  }
0xef: {  	_ =	swait.ge [sflag:s21], $0x1400  }
0xf0: {  	[sflag:s21] =	ssyncset.done $0x0  }
0xf1: {  	[sflag:s21] =	ssyncadd.s32 $0xFFFFEC00  }
0xf2: {  	_ =	swait.ge [sflag:s22], $0x2800  }
0xf3: {  	[sflag:s22] =	ssyncset.done $0x0  }
0xf4: {  	s1 =	simm.s32 $0x9D70;
	[sflag:s22] =	ssyncadd.s32 $0xFFFFD800  }
0xf5: {  	s29 =	simm.s32 $0x8950;
	v0 =	vld [tilespmem:s1+$0xFFFFFFC0]  }
0xf6: {  	s12 =	simm.s32 $0x7550;
	v1 =	vld [tilespmem:s29+$0x10]  }
0xf7: {  	v3 =	vld [tilespmem:s12+$0x10]  }
0xf8: {  	v2 =	vld [tilespmem:s29+$0x0]  }
0xf9: {  	v4 =	vld [tilespmem:s29+$0xFFFFFFF0]  }
0xfa: {  	v5 =	vld [tilespmem:s29+$0xFFFFFFE0]  }
0xfb: {  	s0 =	simm.s32 $0x26C0;
	s6 =	simm.s32 $0x26C1;
	v6 =	vld [tilespmem:s12+$0xFFFFFFE0]  }
.LBB2_8:
0xfc: {  	p0 =	sne.s32 s6, $0x270F;
	v7 =	vld [tilespmem:s12+$0xFFFFFFF0]  }
0xfd: {  	v8 =	vld [tilespmem:s12+$0x0]  }
0xfe: {  	v9 =	vld [tilespmem:s1+$0xFFFFFFD0]  }
0xff: {  	v10 =	vld [tilespmem:s1+$0xFFFFFFE0]  }
0x100: {  	v5 =	vmul.bf16 v5, v6;
	v6 =	vld [tilespmem:s1+$0xFFFFFFF0]  }
0x101: {  	v1 =	vmul.bf16 v1, v3;
	v4 =	vmul.bf16 v4, v7;
	v7 =	vld [tilespmem:s1+$0x0]  }
0x102: {  	v3 =	vunpack.i.u.bf16.f32 v5;
	v5 =	vunpack.i.l.bf16.f32 v5;
	v2 =	vmul.bf16 v2, v8;
	v8 =	vld [tilespmem:s1+$0x10]  }
0x103: {  	v0 =	vmul.f32 v0, v5;
	v3 =	vmul.f32 v9, v3;
	v5 =	vunpack.i.l.bf16.f32 v4;
	v9 =	vld [tilespmem:s1+$0x20]  }
0x104: {  	v4 =	vunpack.i.u.bf16.f32 v4;
	v5 =	vmul.f32 v10, v5;
	v10 =	vunpack.i.l.bf16.f32 v2;
	v11 =	vld [tilespmem:s1+$0x30]  }
0x105: {  	v0 =	vadd.f32 $0.0e+00, v0;
	v3 =	vadd.f32 $0.0e+00, v3;
	v4 =	vmul.f32 v6, v4  }
0x106: {  	v2 =	vunpack.i.u.bf16.f32 v2;
	v6 =	vmul.f32 v7, v10;
	v7 =	vunpack.i.l.bf16.f32 v1  }
0x107: {  	v0 =	vadd.f32 v5, v0;
	v3 =	vadd.f32 v4, v3;
	v2 =	vmul.f32 v8, v2  }
0x108: {  	v1 =	vunpack.i.u.bf16.f32 v1;
	v4 =	vmul.f32 v9, v7  }
0x109: {  	v0 =	vadd.f32 v6, v0;
	v2 =	vadd.f32 v2, v3;
	v1 =	vmul.f32 v11, v1;
	_ =	sdelay $0x1  }
0x10a: {  	v0 =	vadd.f32 v4, v0;
	v1 =	vadd.f32 v1, v2;
	_ =	sdelay $0x1  }
0x10b: {  	v0 =	vadd.f32 v1, v0;
	_ =	sdelay $0x1  }
0x10c: {  	(xrf2) =	vadd.scan.msk.f32 $0xffff, v0;
	_ =	sdelay $0x5  }
0x10d: {  	v0 =	vmov s0;
	s0 =	smov.u32 s6;
	_ =	sdelay $0x3  }
0x10e: {  	v1, _, _ =	vpop (xrf2)  }
0x10f: {  	s1 =	sadd.s32 $0x80, s1;
	[tilespmem:v0+s23+$0x0] =	vst.idx.msk vm0, v1  }
0x110: {  	s29 =	sadd.s32 $0x40, s29;
	v0 =	vld [tilespmem:s1+$0xFFFFFFC0]  }
0x111: {  	s12 =	sadd.s32 $0x40, s12;
	v1 =	vld [tilespmem:s29+$0x10]  }
.Ltmp3:
0x112: {  	v3 =	vld [tilespmem:s12+$0x10];
	(pc) =	sbr.rel @p0 .LBB2_8-.Ltmp3, $4  }
0x113: {  	v2 =	vld [tilespmem:s29+$0x0]  }
0x114: {  	v4 =	vld [tilespmem:s29+$0xFFFFFFF0]  }
0x115: {  	v5 =	vld [tilespmem:s29+$0xFFFFFFE0]  }
0x116: {  	s6 =	sadd.s32 $0x1, s6;
	v6 =	vld [tilespmem:s12+$0xFFFFFFE0]  }
0x117: {  	v7 =	vld [tilespmem:s12+$0xFFFFFFF0]  }
0x118: {  	v8 =	vld [tilespmem:s12+$0x0]  }
0x119: {  	v9 =	vld [tilespmem:s1+$0xFFFFFFD0]  }
0x11a: {  	v10 =	vld [tilespmem:s1+$0xFFFFFFE0]  }
0x11b: {  	v52 =	vld [tilespmem:s1+$0xFFFFFFF0];
	v5 =	vmul.bf16 v5, v6  }
0x11c: {  	v53 =	vld [tilespmem:s1+$0x0];
	v1 =	vmul.bf16 v1, v3;
	v4 =	vmul.bf16 v4, v7  }
0x11d: {  	v55 =	vld [tilespmem:s1+$0x10];
	v2 =	vmul.bf16 v2, v8;
	v54 =	vunpack.i.u.bf16.f32 v5;
	v5 =	vunpack.i.l.bf16.f32 v5  }
0x11e: {  	v57 =	vld [tilespmem:s1+$0x20];
	v0 =	vmul.f32 v0, v5;
	v3 =	vmul.f32 v9, v54;
	v56 =	vunpack.i.l.bf16.f32 v4  }
0x11f: {  	v11 =	vld [tilespmem:s1+$0x30];
	v4 =	vunpack.i.u.bf16.f32 v4;
	v58 =	vunpack.i.l.bf16.f32 v2;
	v5 =	vmul.f32 v10, v56  }
0x120: {  	v4 =	vmul.f32 v52, v4;
	v0 =	vadd.f32 $0.0e+00, v0;
	v3 =	vadd.f32 $0.0e+00, v3  }
0x121: {  	v60 =	vunpack.i.l.bf16.f32 v1;
	v2 =	vunpack.i.u.bf16.f32 v2;
	v59 =	vmul.f32 v53, v58  }
0x122: {  	v2 =	vmul.f32 v55, v2;
	v0 =	vadd.f32 v5, v0;
	v3 =	vadd.f32 v4, v3  }
0x123: {  	v1 =	vunpack.i.u.bf16.f32 v1;
	v61 =	vmul.f32 v57, v60  }
0x124: {  	v1 =	vmul.f32 v11, v1;
	v0 =	vadd.f32 v59, v0;
	v2 =	vadd.f32 v2, v3;
	_ =	sdelay $0x1  }
0x125: {  	v0 =	vadd.f32 v61, v0;
	v1 =	vadd.f32 v1, v2;
	_ =	sdelay $0x1  }
0x126: {  	v0 =	vadd.f32 v1, v0;
	_ =	sdelay $0x1  }
0x127: {  	(xrf2) =	vadd.scan.msk.f32 $0xffff, v0;
	_ =	sdelay $0x5  }
0x128: {  	v62 =	vmov s0;
	_ =	sdelay $0x2  }
0x129: {  	s28 =	sadd.s32 $0x1, s28  }
0x12a: {  	p0 =	sne.s32 s28, s10;
	v63, _, _ =	vpop (xrf2)  }
.Ltmp4:
0x12b: {  	[tilespmem:v62+s23+$0x0] =	vst.idx.msk vm0, v63;
	(pc) =	sbr.rel @p0 .LBB2_1-.Ltmp4, $4  }
0x12c: {  	[hbm4b:s9+s3] =	stream.linear.scatter [tilespmem:s23], [sflag:$0x7], $0x2710, $0x38;
	[tilespmem:$0x11530] =	vst v63  }
0x12d: {  	_ =	swait.ge [sflag:s11], $0x2710  }
0x12e: {  	[sflag:s11] =	ssyncset.done $0x0  }
0x12f: {  	[sflag:s11] =	ssyncadd.s32 $0xFFFFD8F0  }
0x130: {  	_ =	sfence.sel $0x180000  }
0x131: {  	[bflag:$0x0] =	sbarrier.arrive $0xFFFF  }
0x132: {  	_ =	strace $0x90000047  }
0x133: {  	s0 =	stileid.u32;
	[bflag:$0x2] =	sbarrier.arrive $0xFFFF  }
0x134: {  	p0 =	sne.s32 s0, $0x0;
	s0 =	rddreg [dreg:$0x5]  }
0x135: {  	s0 =	sadd.s32 @!p0 $0x100000, s0  }
0x136: {  	[sflag:s0] =	ssyncadd.tile.s32 @!p0 $0x1;
	_ =	shalt  }
.Lfunc_end2:
_tile_overlayer_lowered:
.L_overlay_start_2:
0x137: {  	(tag) =	ssettag $0x2  }
0x138: {  	s0 =	rddreg [dreg:$0x0];
	s2 =	stileid.u32  }
0x139: {  	s1 =	rddreg [dreg:$0x1];
	p0 =	sne.s32 s2, $0x0  }
0x13a: {  	s3 =	rddreg [dreg:$0x2];
	[bflag:$0x3] =	sbarrier.arrive $0xFFFF;
	s2 =	simm.s32 @!p0 $0x1C07  }
0x13b: {  	[timem:s3], [sflag:s2] =	dma.local @!p0 [hbm:s0], s1  }
0x13c: {  	s0 =	simm.s32 @!p0 $0x7  }
0x13d: {  	_ =	swait.ge @!p0 [sflag:s0], s1  }
0x13e: {  	s1 =	ssub.s32 @!p0 $0x0, s1;
	[sflag:s0] =	ssyncset.done @!p0 $0x0  }
0x13f: {  	[sflag:s0] =	ssyncadd.s32 @!p0 s1  }
0x140: {  	[bflag:$0x3] =	sbarrier.arrive $0xFFFF  }
0x141: {  	_ =	shalt  }

</sc_bundles>
